<compile_context>
chip_gen: v7x
topology: tpu7x:2x2x1
jax: 0.10.2.dev20260603
libtpu: 0.0.44.dev20260713+nightly
codegen_flags: <defaults>
</compile_context>

<pallas_src>
import functools

import jax
import jax.numpy as jnp
from jax import lax
from jax.experimental import pallas as pl
from jax.experimental.pallas import tpu as pltpu
from jax.experimental.pallas import tpu_sc as plsc

N = 10000
E = 320000
D = 128
L = 3
P = 8

NC = 2
NS = 16
NW = NC * NS
CH = 128
K = -(-E // (NW * CH))
EPW = K * CH
EPAD = NW * EPW
NACC = 10112
RPT = NACC // NS


def _sc_spmm_body(g_hbm, src_hbm, dst_hbm, zero_hbm, out_hbm,
                  src_v, dst_v, rows_v, acc_s, sem):
    c = lax.axis_index("c")
    s = lax.axis_index("s")
    wid = s * NC + c

    pltpu.sync_copy(zero_hbm, acc_s.at[pl.ds(s * RPT, RPT)])
    pltpu.sync_copy(src_hbm.at[wid], src_v)
    pltpu.sync_copy(dst_hbm.at[wid], dst_v)
    plsc.subcore_barrier()

    def body(j, carry):
        pltpu.async_copy(g_hbm.at[src_v.at[j]], rows_v, sem).wait()
        pltpu.sync_copy(rows_v, acc_s.at[dst_v.at[j]], add=True)
        return carry

    lax.fori_loop(0, K, body, 0)
    plsc.subcore_barrier()

    pltpu.sync_copy(acc_s.at[pl.ds(s * RPT, RPT)],
                    out_hbm.at[c].at[pl.ds(s * RPT, RPT)])


_sc_spmm = pl.kernel(
    _sc_spmm_body,
    out_type=jax.ShapeDtypeStruct((NC, NACC, D), jnp.float32),
    mesh=plsc.VectorSubcoreMesh(core_axis_name="c", subcore_axis_name="s",
                                num_cores=NC),
    scratch_types=[
        pltpu.VMEM((K, CH), jnp.int32),
        pltpu.VMEM((K, CH), jnp.int32),
        pltpu.VMEM((CH, D), jnp.float32),
        pltpu.VMEM_SHARED((NACC, D), jnp.float32),
        pltpu.SemaphoreType.DMA,
    ],
)


def _softmax_body(lw_ref, o_ref):
    v = lw_ref[...]
    m = jnp.max(v, axis=1, keepdims=True)
    e = jnp.exp(v - m)
    o_ref[...] = e / jnp.sum(e, axis=1, keepdims=True)


_softmax = pl.pallas_call(
    _softmax_body,
    out_shape=jax.ShapeDtypeStruct((L, P), jnp.float32),
)


def _combine_ww(sp_ref, w_ref):
    ww = w_ref[0] * sp_ref[0]
    for p in range(1, P):
        ww = ww + w_ref[p] * sp_ref[p]
    return ww


def _proj_body(h_ref, sp_ref, w_ref, o_ref):
    ww = _combine_ww(sp_ref, w_ref)
    o_ref[...] = lax.dot_general(h_ref[...], ww, (((1,), (1,)), ((), ())),
                                 preferred_element_type=jnp.float32)


def _fuse_body(p0_ref, p1_ref, sp_ref, w_ref, o_ref):
    h = jnp.maximum(p0_ref[...] + p1_ref[...], 0.0)
    ww = _combine_ww(sp_ref, w_ref)
    o_ref[...] = lax.dot_general(h, ww, (((1,), (1,)), ((), ())),
                                 preferred_element_type=jnp.float32)


def _add_body(p0_ref, p1_ref, o_ref):
    o_ref[...] = p0_ref[...] + p1_ref[...]


_vmem = pl.BlockSpec(memory_space=pltpu.VMEM)
_smem = pl.BlockSpec(memory_space=pltpu.SMEM)

_proj = pl.pallas_call(
    _proj_body,
    out_shape=jax.ShapeDtypeStruct((NACC, D), jnp.float32),
    in_specs=[_vmem, _vmem, _smem],
)

_fuse = pl.pallas_call(
    _fuse_body,
    out_shape=jax.ShapeDtypeStruct((NACC, D), jnp.float32),
    in_specs=[_vmem, _vmem, _vmem, _smem],
)

_add = pl.pallas_call(
    _add_body,
    out_shape=jax.ShapeDtypeStruct((NACC, D), jnp.float32),
    in_specs=[_vmem, _vmem],
)


def kernel(x, stacked_params, layer_weights, edge_index):
    pad = EPAD - E
    src = jnp.concatenate([edge_index[0], jnp.zeros((pad,), jnp.int32)])
    dst = jnp.concatenate([edge_index[1], jnp.full((pad,), N, jnp.int32)])
    srcr = src.reshape(NW, K, CH)
    dstr = dst.reshape(NW, K, CH)
    zero_blk = jnp.zeros((RPT, D), jnp.float32)
    spt = jnp.transpose(stacked_params, (0, 3, 1, 2))
    h = jnp.concatenate([x, jnp.zeros((NACC - N, D), jnp.float32)])

    wsm = _softmax(layer_weights)

    g = _proj(h, spt[0], wsm[0])
    parts = _sc_spmm(g, srcr, dstr, zero_blk)
    for i in range(1, L):
        g = _fuse(parts[0], parts[1], spt[i], wsm[i])
        parts = _sc_spmm(g, srcr, dstr, zero_blk)
    out = _add(parts[0], parts[1])
    return out[:N]

# --- scband reference (transcript-rebuilt; emitter-appended) ---
"""Pipeline reference for scband-gra-avg-9174050144814 (READ-ONLY COPY).

The authoritative reference and input builder live on the scoring server;
editing this copy changes nothing except your own understanding.
"""

import jax, jax.numpy as jnp
import numpy as np

N = 10000   # n_nodes
E = 320000  # n_edges
D = 128     # d_feat
L = 3       # num_layers
P = 8       # num_parts


def setup_inputs(seed: int = 0) -> dict:
    key = jax.random.key(seed)
    k1, k2, k3 = jax.random.split(key, 3)
    x = jax.random.normal(k1, (N, D), dtype=jnp.float32)
    # adj is represented as an edge list; adj.spmm(h) == scatter-add of h[src] into dst rows
    edge_index = jax.random.randint(k2, (2, E), 0, N, dtype=jnp.int32)
    # stacked_params[i][1] in the torch code: per-layer stacked partition weights [d_out, d_in, num_parts]
    stacked_params = jax.random.normal(k3, (L, D, D, P), dtype=jnp.float32)
    # learned MyLinear weights, one [num_parts] vector per layer, init ones/num_parts
    layer_weights = jnp.ones((L, P), dtype=jnp.float32) / P
    return {"x": x, "stacked_params": stacked_params, "layer_weights": layer_weights, "edge_index": edge_index}


def reference(x, stacked_params, layer_weights, edge_index):
    src = edge_index[0]
    dst = edge_index[1]
    h = x
    for i in range(L):
        # adj.spmm(h): binary sparse adjacency matmul -> gather + segment_sum
        ax = jax.ops.segment_sum(h[src], dst, num_segments=N)
        # MyLinear: softmax over parts dim, then contract last dim of stacked params
        w = jax.nn.softmax(layer_weights[i])
        ww = jnp.einsum('oip,p->oi', stacked_params[i], w)  # F.linear with 1-D weight
        h = jnp.matmul(ax, ww.T)
        if i < L - 1:
            h = jax.nn.relu(h)
    return h

if __name__ == "__main__":
    import jax
    _d = setup_inputs()
    print(jax.jit(kernel)(*tuple(_d.values())))

</pallas_src>

<mosaic_0001>
#map = affine_map<(d0, d1) -> (0, 0)>
#map1 = affine_map<(d0, d1) -> (0, 0, 0)>
module attributes {stable_mosaic.version = 14 : i64} {
  func.func @_sc_spmm_body(%arg0: i32, %arg1: i32, %arg2: memref<10112x128xf32, #tpu.memory_space<hbm>>, %arg3: memref<32x79x128xi32, #tpu.memory_space<hbm>>, %arg4: memref<32x79x128xi32, #tpu.memory_space<hbm>>, %arg5: memref<632x128xf32, #tpu.memory_space<hbm>>, %arg6: memref<2x10112x128xf32, #tpu.memory_space<hbm>>, %arg7: memref<79x128xi32, #tpu.memory_space<vmem>>, %arg8: memref<79x128xi32, #tpu.memory_space<vmem>>, %arg9: memref<128x128xf32, #tpu.memory_space<vmem>>, %arg10: memref<10112x128xf32, #tpu.memory_space<vmem_shared>>, %arg11: memref<!tpu.dma_semaphore, #tpu.memory_space<semaphore_mem>>) attributes {dimension_semantics = [#tpu.dimension_semantics<core_parallel>, #tpu.dimension_semantics<subcore_parallel>], iteration_bounds = array<i64: 2, 16>, scalar_prefetch = 0 : i64, scratch_operands = 5 : i64, tpu.core_type = #tpu.core_type<sc_vector_subcore>, window_params = [{transform_indices = #map}, {transform_indices = #map1}, {transform_indices = #map1}, {transform_indices = #map}, {transform_indices = #map1}]} {
    %mul3A = arith.constant 2 : i32
    %mul3A_0 = arith.muli %arg1, %mul3A : i32
    %add3A = arith.addi %mul3A_0, %arg0 : i32
    %mul3A_1 = arith.constant 632 : i32
    %mul3A_2 = arith.muli %arg1, %mul3A_1 : i32
    "tpu.region"() ({
      %run_scoped3A = tpu.sem_alloc : memref<!tpu.dma_semaphore, #tpu.memory_space<semaphore_mem>>
      %dma_start3A = arith.constant 0 : i32
      %dma_start3A_13 = tpu.memref_slice %arg10[%mul3A_2, %dma_start3A] : memref<10112x128xf32, #tpu.memory_space<vmem_shared>> -> memref<632x128xf32, #tpu.memory_space<vmem_shared>>
      tpu.enqueue_dma source(%arg5 : memref<632x128xf32, #tpu.memory_space<hbm>>) target(%dma_start3A_13 : memref<632x128xf32, #tpu.memory_space<vmem_shared>>) target_semaphore(%run_scoped3A : memref<!tpu.dma_semaphore, #tpu.memory_space<semaphore_mem>>)
      %dma_wait3A = arith.constant 0 : i32
      %dma_wait3A_14 = tpu.memref_slice %arg10[%mul3A_2, %dma_wait3A] : memref<10112x128xf32, #tpu.memory_space<vmem_shared>> -> memref<632x128xf32, #tpu.memory_space<vmem_shared>>
      tpu.wait_dma2 semaphore(%run_scoped3A : memref<!tpu.dma_semaphore, #tpu.memory_space<semaphore_mem>>) src(%arg5 : memref<632x128xf32, #tpu.memory_space<hbm>>) dst(%dma_wait3A_14 : memref<632x128xf32, #tpu.memory_space<vmem_shared>>)
      tpu.yield
    }) : () -> ()
    "tpu.region"() ({
      %run_scoped3A = tpu.sem_alloc : memref<!tpu.dma_semaphore, #tpu.memory_space<semaphore_mem>>
      %dma_start3A = arith.constant 0 : i32
      %dma_start3A_13 = arith.constant 0 : i32
      %dma_start3A_14 = tpu.memref_slice %arg3[%add3A, %dma_start3A, %dma_start3A_13] : memref<32x79x128xi32, #tpu.memory_space<hbm>> -> memref<1x79x128xi32, #tpu.memory_space<hbm>>
      %dma_start3A_15 = tpu.memref_squeeze %dma_start3A_14 : memref<1x79x128xi32, #tpu.memory_space<hbm>> -> memref<79x128xi32, #tpu.memory_space<hbm>>
      %dma_start3A_16 = arith.constant 0 : i32
      %dma_start3A_17 = arith.constant 0 : i32
      %dma_start3A_18 = tpu.memref_slice %arg3[%add3A, %dma_start3A_16, %dma_start3A_17] : memref<32x79x128xi32, #tpu.memory_space<hbm>> -> memref<1x79x128xi32, #tpu.memory_space<hbm>>
      %dma_start3A_19 = tpu.memref_squeeze %dma_start3A_18 : memref<1x79x128xi32, #tpu.memory_space<hbm>> -> memref<79x128xi32, #tpu.memory_space<hbm>>
      tpu.enqueue_dma source(%dma_start3A_19 : memref<79x128xi32, #tpu.memory_space<hbm>>) target(%arg7 : memref<79x128xi32, #tpu.memory_space<vmem>>) target_semaphore(%run_scoped3A : memref<!tpu.dma_semaphore, #tpu.memory_space<semaphore_mem>>)
      %dma_wait3A = arith.constant 0 : i32
      %dma_wait3A_20 = arith.constant 0 : i32
      %dma_wait3A_21 = tpu.memref_slice %arg3[%add3A, %dma_wait3A, %dma_wait3A_20] : memref<32x79x128xi32, #tpu.memory_space<hbm>> -> memref<1x79x128xi32, #tpu.memory_space<hbm>>
      %dma_wait3A_22 = tpu.memref_squeeze %dma_wait3A_21 : memref<1x79x128xi32, #tpu.memory_space<hbm>> -> memref<79x128xi32, #tpu.memory_space<hbm>>
      %dma_wait3A_23 = arith.constant 0 : i32
      %dma_wait3A_24 = arith.constant 0 : i32
      %dma_wait3A_25 = tpu.memref_slice %arg3[%add3A, %dma_wait3A_23, %dma_wait3A_24] : memref<32x79x128xi32, #tpu.memory_space<hbm>> -> memref<1x79x128xi32, #tpu.memory_space<hbm>>
      %dma_wait3A_26 = tpu.memref_squeeze %dma_wait3A_25 : memref<1x79x128xi32, #tpu.memory_space<hbm>> -> memref<79x128xi32, #tpu.memory_space<hbm>>
      tpu.wait_dma2 semaphore(%run_scoped3A : memref<!tpu.dma_semaphore, #tpu.memory_space<semaphore_mem>>) src(%dma_wait3A_26 : memref<79x128xi32, #tpu.memory_space<hbm>>) dst(%arg7 : memref<79x128xi32, #tpu.memory_space<vmem>>)
      tpu.yield
    }) : () -> ()
    "tpu.region"() ({
      %run_scoped3A = tpu.sem_alloc : memref<!tpu.dma_semaphore, #tpu.memory_space<semaphore_mem>>
      %dma_start3A = arith.constant 0 : i32
      %dma_start3A_13 = arith.constant 0 : i32
      %dma_start3A_14 = tpu.memref_slice %arg4[%add3A, %dma_start3A, %dma_start3A_13] : memref<32x79x128xi32, #tpu.memory_space<hbm>> -> memref<1x79x128xi32, #tpu.memory_space<hbm>>
      %dma_start3A_15 = tpu.memref_squeeze %dma_start3A_14 : memref<1x79x128xi32, #tpu.memory_space<hbm>> -> memref<79x128xi32, #tpu.memory_space<hbm>>
      %dma_start3A_16 = arith.constant 0 : i32
      %dma_start3A_17 = arith.constant 0 : i32
      %dma_start3A_18 = tpu.memref_slice %arg4[%add3A, %dma_start3A_16, %dma_start3A_17] : memref<32x79x128xi32, #tpu.memory_space<hbm>> -> memref<1x79x128xi32, #tpu.memory_space<hbm>>
      %dma_start3A_19 = tpu.memref_squeeze %dma_start3A_18 : memref<1x79x128xi32, #tpu.memory_space<hbm>> -> memref<79x128xi32, #tpu.memory_space<hbm>>
      tpu.enqueue_dma source(%dma_start3A_19 : memref<79x128xi32, #tpu.memory_space<hbm>>) target(%arg8 : memref<79x128xi32, #tpu.memory_space<vmem>>) target_semaphore(%run_scoped3A : memref<!tpu.dma_semaphore, #tpu.memory_space<semaphore_mem>>)
      %dma_wait3A = arith.constant 0 : i32
      %dma_wait3A_20 = arith.constant 0 : i32
      %dma_wait3A_21 = tpu.memref_slice %arg4[%add3A, %dma_wait3A, %dma_wait3A_20] : memref<32x79x128xi32, #tpu.memory_space<hbm>> -> memref<1x79x128xi32, #tpu.memory_space<hbm>>
      %dma_wait3A_22 = tpu.memref_squeeze %dma_wait3A_21 : memref<1x79x128xi32, #tpu.memory_space<hbm>> -> memref<79x128xi32, #tpu.memory_space<hbm>>
      %dma_wait3A_23 = arith.constant 0 : i32
      %dma_wait3A_24 = arith.constant 0 : i32
      %dma_wait3A_25 = tpu.memref_slice %arg4[%add3A, %dma_wait3A_23, %dma_wait3A_24] : memref<32x79x128xi32, #tpu.memory_space<hbm>> -> memref<1x79x128xi32, #tpu.memory_space<hbm>>
      %dma_wait3A_26 = tpu.memref_squeeze %dma_wait3A_25 : memref<1x79x128xi32, #tpu.memory_space<hbm>> -> memref<79x128xi32, #tpu.memory_space<hbm>>
      tpu.wait_dma2 semaphore(%run_scoped3A : memref<!tpu.dma_semaphore, #tpu.memory_space<semaphore_mem>>) src(%dma_wait3A_26 : memref<79x128xi32, #tpu.memory_space<hbm>>) dst(%arg8 : memref<79x128xi32, #tpu.memory_space<vmem>>)
      tpu.yield
    }) : () -> ()
    %barrier3A = arith.constant 0 : index
    tpu.barrier barrier_id(%barrier3A)
    %scan3A = arith.constant 0 : i32
    %scan3A_3 = arith.constant 0 : i32
    %scan3A_4 = arith.constant 79 : i32
    %scan3A_5 = arith.addi %scan3A_3, %scan3A_4 : i32
    %scan3A_6 = arith.constant 1 : i32
    scf.for %scan3A_13 = %scan3A_3 to %scan3A_5 step %scan3A_6  : i32 {
      %dma_start3A = arith.constant 0 : i32
      %dma_start3A_14 = tpu.memref_slice %arg7[%scan3A_13, %dma_start3A] : memref<79x128xi32, #tpu.memory_space<vmem>> -> memref<1x128xi32, #tpu.memory_space<vmem>>
      %dma_start3A_15 = tpu.memref_squeeze %dma_start3A_14 : memref<1x128xi32, #tpu.memory_space<vmem>> -> memref<128xi32, #tpu.memory_space<vmem>>
      %dma_start3A_16 = arith.constant 0 : i32
      %dma_start3A_17 = arith.constant 0 : i32
      %dma_start3A_18 = tpu.memref_slice %arg2[%dma_start3A_16, %dma_start3A_17] : memref<10112x128xf32, #tpu.memory_space<hbm>> -> memref<10112x128xf32, #tpu.memory_space<hbm>>
      tpu.enqueue_indirect_dma source(%dma_start3A_18 : memref<10112x128xf32, #tpu.memory_space<hbm>>) target(%arg9 : memref<128x128xf32, #tpu.memory_space<vmem>>) offsets(%dma_start3A_15 : memref<128xi32, #tpu.memory_space<vmem>>) semaphore(%arg11 : memref<!tpu.dma_semaphore, #tpu.memory_space<semaphore_mem>>)
      %dma_wait3A = arith.constant 0 : i32
      %dma_wait3A_19 = tpu.memref_slice %arg7[%scan3A_13, %dma_wait3A] : memref<79x128xi32, #tpu.memory_space<vmem>> -> memref<1x128xi32, #tpu.memory_space<vmem>>
      %dma_wait3A_20 = tpu.memref_squeeze %dma_wait3A_19 : memref<1x128xi32, #tpu.memory_space<vmem>> -> memref<128xi32, #tpu.memory_space<vmem>>
      %dma_wait3A_21 = arith.constant 0 : i32
      %dma_wait3A_22 = arith.constant 0 : i32
      %dma_wait3A_23 = tpu.memref_slice %arg2[%dma_wait3A_21, %dma_wait3A_22] : memref<10112x128xf32, #tpu.memory_space<hbm>> -> memref<10112x128xf32, #tpu.memory_space<hbm>>
      tpu.wait_indirect_dma semaphore(%arg11 : memref<!tpu.dma_semaphore, #tpu.memory_space<semaphore_mem>>) src(%dma_wait3A_23 : memref<10112x128xf32, #tpu.memory_space<hbm>>) dst(%arg9 : memref<128x128xf32, #tpu.memory_space<vmem>>)
      "tpu.region"() ({
        %run_scoped3A = tpu.sem_alloc : memref<!tpu.dma_semaphore, #tpu.memory_space<semaphore_mem>>
        %dma_start3A_24 = arith.constant 0 : i32
        %dma_start3A_25 = tpu.memref_slice %arg8[%scan3A_13, %dma_start3A_24] : memref<79x128xi32, #tpu.memory_space<vmem>> -> memref<1x128xi32, #tpu.memory_space<vmem>>
        %dma_start3A_26 = tpu.memref_squeeze %dma_start3A_25 : memref<1x128xi32, #tpu.memory_space<vmem>> -> memref<128xi32, #tpu.memory_space<vmem>>
        %dma_start3A_27 = arith.constant 0 : i32
        %dma_start3A_28 = arith.constant 0 : i32
        %dma_start3A_29 = tpu.memref_slice %arg10[%dma_start3A_27, %dma_start3A_28] : memref<10112x128xf32, #tpu.memory_space<vmem_shared>> -> memref<10112x128xf32, #tpu.memory_space<vmem_shared>>
        tpu.enqueue_indirect_dma source(%arg9 : memref<128x128xf32, #tpu.memory_space<vmem>>) target(%dma_start3A_29 : memref<10112x128xf32, #tpu.memory_space<vmem_shared>>) offsets(%dma_start3A_26 : memref<128xi32, #tpu.memory_space<vmem>>) semaphore(%run_scoped3A : memref<!tpu.dma_semaphore, #tpu.memory_space<semaphore_mem>>) {add = true}
        %dma_wait3A_30 = arith.constant 0 : i32
        %dma_wait3A_31 = tpu.memref_slice %arg8[%scan3A_13, %dma_wait3A_30] : memref<79x128xi32, #tpu.memory_space<vmem>> -> memref<1x128xi32, #tpu.memory_space<vmem>>
        %dma_wait3A_32 = tpu.memref_squeeze %dma_wait3A_31 : memref<1x128xi32, #tpu.memory_space<vmem>> -> memref<128xi32, #tpu.memory_space<vmem>>
        %dma_wait3A_33 = arith.constant 0 : i32
        %dma_wait3A_34 = arith.constant 0 : i32
        %dma_wait3A_35 = tpu.memref_slice %arg10[%dma_wait3A_33, %dma_wait3A_34] : memref<10112x128xf32, #tpu.memory_space<vmem_shared>> -> memref<10112x128xf32, #tpu.memory_space<vmem_shared>>
        tpu.wait_indirect_dma semaphore(%run_scoped3A : memref<!tpu.dma_semaphore, #tpu.memory_space<semaphore_mem>>) src(%arg9 : memref<128x128xf32, #tpu.memory_space<vmem>>) dst(%dma_wait3A_35 : memref<10112x128xf32, #tpu.memory_space<vmem_shared>>)
        tpu.yield
      }) : () -> ()
    }
    %scan3A_7 = arith.constant 79 : i32
    %barrier3A_8 = arith.constant 0 : index
    tpu.barrier barrier_id(%barrier3A_8)
    %mul3A_9 = arith.constant 632 : i32
    %mul3A_10 = arith.muli %arg1, %mul3A_9 : i32
    %mul3A_11 = arith.constant 632 : i32
    %mul3A_12 = arith.muli %arg1, %mul3A_11 : i32
    "tpu.region"() ({
      %run_scoped3A = tpu.sem_alloc : memref<!tpu.dma_semaphore, #tpu.memory_space<semaphore_mem>>
      %dma_start3A = arith.constant 0 : i32
      %dma_start3A_13 = arith.constant 0 : i32
      %dma_start3A_14 = tpu.memref_slice %arg6[%arg0, %dma_start3A, %dma_start3A_13] : memref<2x10112x128xf32, #tpu.memory_space<hbm>> -> memref<1x10112x128xf32, #tpu.memory_space<hbm>>
      %dma_start3A_15 = tpu.memref_squeeze %dma_start3A_14 : memref<1x10112x128xf32, #tpu.memory_space<hbm>> -> memref<10112x128xf32, #tpu.memory_space<hbm>>
      %dma_start3A_16 = arith.constant 0 : i32
      %dma_start3A_17 = tpu.memref_slice %dma_start3A_15[%mul3A_12, %dma_start3A_16] : memref<10112x128xf32, #tpu.memory_space<hbm>> -> memref<632x128xf32, #tpu.memory_space<hbm>>
      %dma_start3A_18 = arith.constant 0 : i32
      %dma_start3A_19 = tpu.memref_slice %arg10[%mul3A_10, %dma_start3A_18] : memref<10112x128xf32, #tpu.memory_space<vmem_shared>> -> memref<632x128xf32, #tpu.memory_space<vmem_shared>>
      tpu.enqueue_dma source(%dma_start3A_19 : memref<632x128xf32, #tpu.memory_space<vmem_shared>>) target(%dma_start3A_17 : memref<632x128xf32, #tpu.memory_space<hbm>>) target_semaphore(%run_scoped3A : memref<!tpu.dma_semaphore, #tpu.memory_space<semaphore_mem>>)
      %dma_wait3A = arith.constant 0 : i32
      %dma_wait3A_20 = arith.constant 0 : i32
      %dma_wait3A_21 = tpu.memref_slice %arg6[%arg0, %dma_wait3A, %dma_wait3A_20] : memref<2x10112x128xf32, #tpu.memory_space<hbm>> -> memref<1x10112x128xf32, #tpu.memory_space<hbm>>
      %dma_wait3A_22 = tpu.memref_squeeze %dma_wait3A_21 : memref<1x10112x128xf32, #tpu.memory_space<hbm>> -> memref<10112x128xf32, #tpu.memory_space<hbm>>
      %dma_wait3A_23 = arith.constant 0 : i32
      %dma_wait3A_24 = tpu.memref_slice %dma_wait3A_22[%mul3A_12, %dma_wait3A_23] : memref<10112x128xf32, #tpu.memory_space<hbm>> -> memref<632x128xf32, #tpu.memory_space<hbm>>
      %dma_wait3A_25 = arith.constant 0 : i32
      %dma_wait3A_26 = tpu.memref_slice %arg10[%mul3A_10, %dma_wait3A_25] : memref<10112x128xf32, #tpu.memory_space<vmem_shared>> -> memref<632x128xf32, #tpu.memory_space<vmem_shared>>
      tpu.wait_dma2 semaphore(%run_scoped3A : memref<!tpu.dma_semaphore, #tpu.memory_space<semaphore_mem>>) src(%dma_wait3A_26 : memref<632x128xf32, #tpu.memory_space<vmem_shared>>) dst(%dma_wait3A_24 : memref<632x128xf32, #tpu.memory_space<hbm>>)
      tpu.yield
    }) : () -> ()
    return
  }
}

#map = affine_map<(d0, d1) -> (0, 0)>
#map1 = affine_map<(d0, d1) -> (0, 0, 0)>
module attributes {stable_mosaic.version = 14 : i64} {
  func.func @_sc_spmm_body(%arg0: i32, %arg1: i32, %arg2: memref<10112x128xf32, #tpu.memory_space<hbm>>, %arg3: memref<32x79x128xi32, #tpu.memory_space<hbm>>, %arg4: memref<32x79x128xi32, #tpu.memory_space<hbm>>, %arg5: memref<632x128xf32, #tpu.memory_space<hbm>>, %arg6: memref<2x10112x128xf32, #tpu.memory_space<hbm>>, %arg7: memref<79x128xi32, #tpu.memory_space<vmem>>, %arg8: memref<79x128xi32, #tpu.memory_space<vmem>>, %arg9: memref<128x128xf32, #tpu.memory_space<vmem>>, %arg10: memref<10112x128xf32, #tpu.memory_space<vmem_shared>>, %arg11: memref<!tpu.dma_semaphore, #tpu.memory_space<semaphore_mem>>) attributes {dimension_semantics = [#tpu.dimension_semantics<core_parallel>, #tpu.dimension_semantics<subcore_parallel>], iteration_bounds = array<i64: 2, 16>, scalar_prefetch = 0 : i64, scratch_operands = 5 : i64, tpu.core_type = #tpu.core_type<sc_vector_subcore>, window_params = [{transform_indices = #map}, {transform_indices = #map1}, {transform_indices = #map1}, {transform_indices = #map}, {transform_indices = #map1}]} {
    %mul3A = arith.constant 2 : i32
    %mul3A_0 = arith.muli %arg1, %mul3A : i32
    %add3A = arith.addi %mul3A_0, %arg0 : i32
    %mul3A_1 = arith.constant 632 : i32
    %mul3A_2 = arith.muli %arg1, %mul3A_1 : i32
    "tpu.region"() ({
      %run_scoped3A = tpu.sem_alloc : memref<!tpu.dma_semaphore, #tpu.memory_space<semaphore_mem>>
      %dma_start3A = arith.constant 0 : i32
      %dma_start3A_13 = tpu.memref_slice %arg10[%mul3A_2, %dma_start3A] : memref<10112x128xf32, #tpu.memory_space<vmem_shared>> -> memref<632x128xf32, #tpu.memory_space<vmem_shared>>
      tpu.enqueue_dma source(%arg5 : memref<632x128xf32, #tpu.memory_space<hbm>>) target(%dma_start3A_13 : memref<632x128xf32, #tpu.memory_space<vmem_shared>>) target_semaphore(%run_scoped3A : memref<!tpu.dma_semaphore, #tpu.memory_space<semaphore_mem>>)
      %dma_wait3A = arith.constant 0 : i32
      %dma_wait3A_14 = tpu.memref_slice %arg10[%mul3A_2, %dma_wait3A] : memref<10112x128xf32, #tpu.memory_space<vmem_shared>> -> memref<632x128xf32, #tpu.memory_space<vmem_shared>>
      tpu.wait_dma2 semaphore(%run_scoped3A : memref<!tpu.dma_semaphore, #tpu.memory_space<semaphore_mem>>) src(%arg5 : memref<632x128xf32, #tpu.memory_space<hbm>>) dst(%dma_wait3A_14 : memref<632x128xf32, #tpu.memory_space<vmem_shared>>)
      tpu.yield
    }) : () -> ()
    "tpu.region"() ({
      %run_scoped3A = tpu.sem_alloc : memref<!tpu.dma_semaphore, #tpu.memory_space<semaphore_mem>>
      %dma_start3A = arith.constant 0 : i32
      %dma_start3A_13 = arith.constant 0 : i32
      %dma_start3A_14 = tpu.memref_slice %arg3[%add3A, %dma_start3A, %dma_start3A_13] : memref<32x79x128xi32, #tpu.memory_space<hbm>> -> memref<1x79x128xi32, #tpu.memory_space<hbm>>
      %dma_start3A_15 = tpu.memref_squeeze %dma_start3A_14 : memref<1x79x128xi32, #tpu.memory_space<hbm>> -> memref<79x128xi32, #tpu.memory_space<hbm>>
      %dma_start3A_16 = arith.constant 0 : i32
      %dma_start3A_17 = arith.constant 0 : i32
      %dma_start3A_18 = tpu.memref_slice %arg3[%add3A, %dma_start3A_16, %dma_start3A_17] : memref<32x79x128xi32, #tpu.memory_space<hbm>> -> memref<1x79x128xi32, #tpu.memory_space<hbm>>
      %dma_start3A_19 = tpu.memref_squeeze %dma_start3A_18 : memref<1x79x128xi32, #tpu.memory_space<hbm>> -> memref<79x128xi32, #tpu.memory_space<hbm>>
      tpu.enqueue_dma source(%dma_start3A_19 : memref<79x128xi32, #tpu.memory_space<hbm>>) target(%arg7 : memref<79x128xi32, #tpu.memory_space<vmem>>) target_semaphore(%run_scoped3A : memref<!tpu.dma_semaphore, #tpu.memory_space<semaphore_mem>>)
      %dma_wait3A = arith.constant 0 : i32
      %dma_wait3A_20 = arith.constant 0 : i32
      %dma_wait3A_21 = tpu.memref_slice %arg3[%add3A, %dma_wait3A, %dma_wait3A_20] : memref<32x79x128xi32, #tpu.memory_space<hbm>> -> memref<1x79x128xi32, #tpu.memory_space<hbm>>
      %dma_wait3A_22 = tpu.memref_squeeze %dma_wait3A_21 : memref<1x79x128xi32, #tpu.memory_space<hbm>> -> memref<79x128xi32, #tpu.memory_space<hbm>>
      %dma_wait3A_23 = arith.constant 0 : i32
      %dma_wait3A_24 = arith.constant 0 : i32
      %dma_wait3A_25 = tpu.memref_slice %arg3[%add3A, %dma_wait3A_23, %dma_wait3A_24] : memref<32x79x128xi32, #tpu.memory_space<hbm>> -> memref<1x79x128xi32, #tpu.memory_space<hbm>>
      %dma_wait3A_26 = tpu.memref_squeeze %dma_wait3A_25 : memref<1x79x128xi32, #tpu.memory_space<hbm>> -> memref<79x128xi32, #tpu.memory_space<hbm>>
      tpu.wait_dma2 semaphore(%run_scoped3A : memref<!tpu.dma_semaphore, #tpu.memory_space<semaphore_mem>>) src(%dma_wait3A_26 : memref<79x128xi32, #tpu.memory_space<hbm>>) dst(%arg7 : memref<79x128xi32, #tpu.memory_space<vmem>>)
      tpu.yield
    }) : () -> ()
    "tpu.region"() ({
      %run_scoped3A = tpu.sem_alloc : memref<!tpu.dma_semaphore, #tpu.memory_space<semaphore_mem>>
      %dma_start3A = arith.constant 0 : i32
      %dma_start3A_13 = arith.constant 0 : i32
      %dma_start3A_14 = tpu.memref_slice %arg4[%add3A, %dma_start3A, %dma_start3A_13] : memref<32x79x128xi32, #tpu.memory_space<hbm>> -> memref<1x79x128xi32, #tpu.memory_space<hbm>>
      %dma_start3A_15 = tpu.memref_squeeze %dma_start3A_14 : memref<1x79x128xi32, #tpu.memory_space<hbm>> -> memref<79x128xi32, #tpu.memory_space<hbm>>
      %dma_start3A_16 = arith.constant 0 : i32
      %dma_start3A_17 = arith.constant 0 : i32
      %dma_start3A_18 = tpu.memref_slice %arg4[%add3A, %dma_start3A_16, %dma_start3A_17] : memref<32x79x128xi32, #tpu.memory_space<hbm>> -> memref<1x79x128xi32, #tpu.memory_space<hbm>>
      %dma_start3A_19 = tpu.memref_squeeze %dma_start3A_18 : memref<1x79x128xi32, #tpu.memory_space<hbm>> -> memref<79x128xi32, #tpu.memory_space<hbm>>
      tpu.enqueue_dma source(%dma_start3A_19 : memref<79x128xi32, #tpu.memory_space<hbm>>) target(%arg8 : memref<79x128xi32, #tpu.memory_space<vmem>>) target_semaphore(%run_scoped3A : memref<!tpu.dma_semaphore, #tpu.memory_space<semaphore_mem>>)
      %dma_wait3A = arith.constant 0 : i32
      %dma_wait3A_20 = arith.constant 0 : i32
      %dma_wait3A_21 = tpu.memref_slice %arg4[%add3A, %dma_wait3A, %dma_wait3A_20] : memref<32x79x128xi32, #tpu.memory_space<hbm>> -> memref<1x79x128xi32, #tpu.memory_space<hbm>>
      %dma_wait3A_22 = tpu.memref_squeeze %dma_wait3A_21 : memref<1x79x128xi32, #tpu.memory_space<hbm>> -> memref<79x128xi32, #tpu.memory_space<hbm>>
      %dma_wait3A_23 = arith.constant 0 : i32
      %dma_wait3A_24 = arith.constant 0 : i32
      %dma_wait3A_25 = tpu.memref_slice %arg4[%add3A, %dma_wait3A_23, %dma_wait3A_24] : memref<32x79x128xi32, #tpu.memory_space<hbm>> -> memref<1x79x128xi32, #tpu.memory_space<hbm>>
      %dma_wait3A_26 = tpu.memref_squeeze %dma_wait3A_25 : memref<1x79x128xi32, #tpu.memory_space<hbm>> -> memref<79x128xi32, #tpu.memory_space<hbm>>
      tpu.wait_dma2 semaphore(%run_scoped3A : memref<!tpu.dma_semaphore, #tpu.memory_space<semaphore_mem>>) src(%dma_wait3A_26 : memref<79x128xi32, #tpu.memory_space<hbm>>) dst(%arg8 : memref<79x128xi32, #tpu.memory_space<vmem>>)
      tpu.yield
    }) : () -> ()
    %barrier3A = arith.constant 0 : index
    tpu.barrier barrier_id(%barrier3A)
    %scan3A = arith.constant 0 : i32
    %scan3A_3 = arith.constant 0 : i32
    %scan3A_4 = arith.constant 79 : i32
    %scan3A_5 = arith.addi %scan3A_3, %scan3A_4 : i32
    %scan3A_6 = arith.constant 1 : i32
    scf.for %scan3A_13 = %scan3A_3 to %scan3A_5 step %scan3A_6  : i32 {
      %dma_start3A = arith.constant 0 : i32
      %dma_start3A_14 = tpu.memref_slice %arg7[%scan3A_13, %dma_start3A] : memref<79x128xi32, #tpu.memory_space<vmem>> -> memref<1x128xi32, #tpu.memory_space<vmem>>
      %dma_start3A_15 = tpu.memref_squeeze %dma_start3A_14 : memref<1x128xi32, #tpu.memory_space<vmem>> -> memref<128xi32, #tpu.memory_space<vmem>>
      %dma_start3A_16 = arith.constant 0 : i32
      %dma_start3A_17 = arith.constant 0 : i32
      %dma_start3A_18 = tpu.memref_slice %arg2[%dma_start3A_16, %dma_start3A_17] : memref<10112x128xf32, #tpu.memory_space<hbm>> -> memref<10112x128xf32, #tpu.memory_space<hbm>>
      tpu.enqueue_indirect_dma source(%dma_start3A_18 : memref<10112x128xf32, #tpu.memory_space<hbm>>) target(%arg9 : memref<128x128xf32, #tpu.memory_space<vmem>>) offsets(%dma_start3A_15 : memref<128xi32, #tpu.memory_space<vmem>>) semaphore(%arg11 : memref<!tpu.dma_semaphore, #tpu.memory_space<semaphore_mem>>)
      %dma_wait3A = arith.constant 0 : i32
      %dma_wait3A_19 = tpu.memref_slice %arg7[%scan3A_13, %dma_wait3A] : memref<79x128xi32, #tpu.memory_space<vmem>> -> memref<1x128xi32, #tpu.memory_space<vmem>>
      %dma_wait3A_20 = tpu.memref_squeeze %dma_wait3A_19 : memref<1x128xi32, #tpu.memory_space<vmem>> -> memref<128xi32, #tpu.memory_space<vmem>>
      %dma_wait3A_21 = arith.constant 0 : i32
      %dma_wait3A_22 = arith.constant 0 : i32
      %dma_wait3A_23 = tpu.memref_slice %arg2[%dma_wait3A_21, %dma_wait3A_22] : memref<10112x128xf32, #tpu.memory_space<hbm>> -> memref<10112x128xf32, #tpu.memory_space<hbm>>
      tpu.wait_indirect_dma semaphore(%arg11 : memref<!tpu.dma_semaphore, #tpu.memory_space<semaphore_mem>>) src(%dma_wait3A_23 : memref<10112x128xf32, #tpu.memory_space<hbm>>) dst(%arg9 : memref<128x128xf32, #tpu.memory_space<vmem>>)
      "tpu.region"() ({
        %run_scoped3A = tpu.sem_alloc : memref<!tpu.dma_semaphore, #tpu.memory_space<semaphore_mem>>
        %dma_start3A_24 = arith.constant 0 : i32
        %dma_start3A_25 = tpu.memref_slice %arg8[%scan3A_13, %dma_start3A_24] : memref<79x128xi32, #tpu.memory_space<vmem>> -> memref<1x128xi32, #tpu.memory_space<vmem>>
        %dma_start3A_26 = tpu.memref_squeeze %dma_start3A_25 : memref<1x128xi32, #tpu.memory_space<vmem>> -> memref<128xi32, #tpu.memory_space<vmem>>
        %dma_start3A_27 = arith.constant 0 : i32
        %dma_start3A_28 = arith.constant 0 : i32
        %dma_start3A_29 = tpu.memref_slice %arg10[%dma_start3A_27, %dma_start3A_28] : memref<10112x128xf32, #tpu.memory_space<vmem_shared>> -> memref<10112x128xf32, #tpu.memory_space<vmem_shared>>
        tpu.enqueue_indirect_dma source(%arg9 : memref<128x128xf32, #tpu.memory_space<vmem>>) target(%dma_start3A_29 : memref<10112x128xf32, #tpu.memory_space<vmem_shared>>) offsets(%dma_start3A_26 : memref<128xi32, #tpu.memory_space<vmem>>) semaphore(%run_scoped3A : memref<!tpu.dma_semaphore, #tpu.memory_space<semaphore_mem>>) {add = true}
        %dma_wait3A_30 = arith.constant 0 : i32
        %dma_wait3A_31 = tpu.memref_slice %arg8[%scan3A_13, %dma_wait3A_30] : memref<79x128xi32, #tpu.memory_space<vmem>> -> memref<1x128xi32, #tpu.memory_space<vmem>>
        %dma_wait3A_32 = tpu.memref_squeeze %dma_wait3A_31 : memref<1x128xi32, #tpu.memory_space<vmem>> -> memref<128xi32, #tpu.memory_space<vmem>>
        %dma_wait3A_33 = arith.constant 0 : i32
        %dma_wait3A_34 = arith.constant 0 : i32
        %dma_wait3A_35 = tpu.memref_slice %arg10[%dma_wait3A_33, %dma_wait3A_34] : memref<10112x128xf32, #tpu.memory_space<vmem_shared>> -> memref<10112x128xf32, #tpu.memory_space<vmem_shared>>
        tpu.wait_indirect_dma semaphore(%run_scoped3A : memref<!tpu.dma_semaphore, #tpu.memory_space<semaphore_mem>>) src(%arg9 : memref<128x128xf32, #tpu.memory_space<vmem>>) dst(%dma_wait3A_35 : memref<10112x128xf32, #tpu.memory_space<vmem_shared>>)
        tpu.yield
      }) : () -> ()
    }
    %scan3A_7 = arith.constant 79 : i32
    %barrier3A_8 = arith.constant 0 : index
    tpu.barrier barrier_id(%barrier3A_8)
    %mul3A_9 = arith.constant 632 : i32
    %mul3A_10 = arith.muli %arg1, %mul3A_9 : i32
    %mul3A_11 = arith.constant 632 : i32
    %mul3A_12 = arith.muli %arg1, %mul3A_11 : i32
    "tpu.region"() ({
      %run_scoped3A = tpu.sem_alloc : memref<!tpu.dma_semaphore, #tpu.memory_space<semaphore_mem>>
      %dma_start3A = arith.constant 0 : i32
      %dma_start3A_13 = arith.constant 0 : i32
      %dma_start3A_14 = tpu.memref_slice %arg6[%arg0, %dma_start3A, %dma_start3A_13] : memref<2x10112x128xf32, #tpu.memory_space<hbm>> -> memref<1x10112x128xf32, #tpu.memory_space<hbm>>
      %dma_start3A_15 = tpu.memref_squeeze %dma_start3A_14 : memref<1x10112x128xf32, #tpu.memory_space<hbm>> -> memref<10112x128xf32, #tpu.memory_space<hbm>>
      %dma_start3A_16 = arith.constant 0 : i32
      %dma_start3A_17 = tpu.memref_slice %dma_start3A_15[%mul3A_12, %dma_start3A_16] : memref<10112x128xf32, #tpu.memory_space<hbm>> -> memref<632x128xf32, #tpu.memory_space<hbm>>
      %dma_start3A_18 = arith.constant 0 : i32
      %dma_start3A_19 = tpu.memref_slice %arg10[%mul3A_10, %dma_start3A_18] : memref<10112x128xf32, #tpu.memory_space<vmem_shared>> -> memref<632x128xf32, #tpu.memory_space<vmem_shared>>
      tpu.enqueue_dma source(%dma_start3A_19 : memref<632x128xf32, #tpu.memory_space<vmem_shared>>) target(%dma_start3A_17 : memref<632x128xf32, #tpu.memory_space<hbm>>) target_semaphore(%run_scoped3A : memref<!tpu.dma_semaphore, #tpu.memory_space<semaphore_mem>>)
      %dma_wait3A = arith.constant 0 : i32
      %dma_wait3A_20 = arith.constant 0 : i32
      %dma_wait3A_21 = tpu.memref_slice %arg6[%arg0, %dma_wait3A, %dma_wait3A_20] : memref<2x10112x128xf32, #tpu.memory_space<hbm>> -> memref<1x10112x128xf32, #tpu.memory_space<hbm>>
      %dma_wait3A_22 = tpu.memref_squeeze %dma_wait3A_21 : memref<1x10112x128xf32, #tpu.memory_space<hbm>> -> memref<10112x128xf32, #tpu.memory_space<hbm>>
      %dma_wait3A_23 = arith.constant 0 : i32
      %dma_wait3A_24 = tpu.memref_slice %dma_wait3A_22[%mul3A_12, %dma_wait3A_23] : memref<10112x128xf32, #tpu.memory_space<hbm>> -> memref<632x128xf32, #tpu.memory_space<hbm>>
      %dma_wait3A_25 = arith.constant 0 : i32
      %dma_wait3A_26 = tpu.memref_slice %arg10[%mul3A_10, %dma_wait3A_25] : memref<10112x128xf32, #tpu.memory_space<vmem_shared>> -> memref<632x128xf32, #tpu.memory_space<vmem_shared>>
      tpu.wait_dma2 semaphore(%run_scoped3A : memref<!tpu.dma_semaphore, #tpu.memory_space<semaphore_mem>>) src(%dma_wait3A_26 : memref<632x128xf32, #tpu.memory_space<vmem_shared>>) dst(%dma_wait3A_24 : memref<632x128xf32, #tpu.memory_space<hbm>>)
      tpu.yield
    }) : () -> ()
    return
  }
}

#map = affine_map<(d0, d1) -> (0, 0)>
#map1 = affine_map<(d0, d1) -> (0, 0, 0)>
module attributes {stable_mosaic.version = 14 : i64} {
  func.func @_sc_spmm_body(%arg0: i32, %arg1: i32, %arg2: memref<10112x128xf32, #tpu.memory_space<hbm>>, %arg3: memref<32x79x128xi32, #tpu.memory_space<hbm>>, %arg4: memref<32x79x128xi32, #tpu.memory_space<hbm>>, %arg5: memref<632x128xf32, #tpu.memory_space<hbm>>, %arg6: memref<2x10112x128xf32, #tpu.memory_space<hbm>>, %arg7: memref<79x128xi32, #tpu.memory_space<vmem>>, %arg8: memref<79x128xi32, #tpu.memory_space<vmem>>, %arg9: memref<128x128xf32, #tpu.memory_space<vmem>>, %arg10: memref<10112x128xf32, #tpu.memory_space<vmem_shared>>, %arg11: memref<!tpu.dma_semaphore, #tpu.memory_space<semaphore_mem>>) attributes {dimension_semantics = [#tpu.dimension_semantics<core_parallel>, #tpu.dimension_semantics<subcore_parallel>], iteration_bounds = array<i64: 2, 16>, scalar_prefetch = 0 : i64, scratch_operands = 5 : i64, tpu.core_type = #tpu.core_type<sc_vector_subcore>, window_params = [{transform_indices = #map}, {transform_indices = #map1}, {transform_indices = #map1}, {transform_indices = #map}, {transform_indices = #map1}]} {
    %mul3A = arith.constant 2 : i32
    %mul3A_0 = arith.muli %arg1, %mul3A : i32
    %add3A = arith.addi %mul3A_0, %arg0 : i32
    %mul3A_1 = arith.constant 632 : i32
    %mul3A_2 = arith.muli %arg1, %mul3A_1 : i32
    "tpu.region"() ({
      %run_scoped3A = tpu.sem_alloc : memref<!tpu.dma_semaphore, #tpu.memory_space<semaphore_mem>>
      %dma_start3A = arith.constant 0 : i32
      %dma_start3A_13 = tpu.memref_slice %arg10[%mul3A_2, %dma_start3A] : memref<10112x128xf32, #tpu.memory_space<vmem_shared>> -> memref<632x128xf32, #tpu.memory_space<vmem_shared>>
      tpu.enqueue_dma source(%arg5 : memref<632x128xf32, #tpu.memory_space<hbm>>) target(%dma_start3A_13 : memref<632x128xf32, #tpu.memory_space<vmem_shared>>) target_semaphore(%run_scoped3A : memref<!tpu.dma_semaphore, #tpu.memory_space<semaphore_mem>>)
      %dma_wait3A = arith.constant 0 : i32
      %dma_wait3A_14 = tpu.memref_slice %arg10[%mul3A_2, %dma_wait3A] : memref<10112x128xf32, #tpu.memory_space<vmem_shared>> -> memref<632x128xf32, #tpu.memory_space<vmem_shared>>
      tpu.wait_dma2 semaphore(%run_scoped3A : memref<!tpu.dma_semaphore, #tpu.memory_space<semaphore_mem>>) src(%arg5 : memref<632x128xf32, #tpu.memory_space<hbm>>) dst(%dma_wait3A_14 : memref<632x128xf32, #tpu.memory_space<vmem_shared>>)
      tpu.yield
    }) : () -> ()
    "tpu.region"() ({
      %run_scoped3A = tpu.sem_alloc : memref<!tpu.dma_semaphore, #tpu.memory_space<semaphore_mem>>
      %dma_start3A = arith.constant 0 : i32
      %dma_start3A_13 = arith.constant 0 : i32
      %dma_start3A_14 = tpu.memref_slice %arg3[%add3A, %dma_start3A, %dma_start3A_13] : memref<32x79x128xi32, #tpu.memory_space<hbm>> -> memref<1x79x128xi32, #tpu.memory_space<hbm>>
      %dma_start3A_15 = tpu.memref_squeeze %dma_start3A_14 : memref<1x79x128xi32, #tpu.memory_space<hbm>> -> memref<79x128xi32, #tpu.memory_space<hbm>>
      %dma_start3A_16 = arith.constant 0 : i32
      %dma_start3A_17 = arith.constant 0 : i32
      %dma_start3A_18 = tpu.memref_slice %arg3[%add3A, %dma_start3A_16, %dma_start3A_17] : memref<32x79x128xi32, #tpu.memory_space<hbm>> -> memref<1x79x128xi32, #tpu.memory_space<hbm>>
      %dma_start3A_19 = tpu.memref_squeeze %dma_start3A_18 : memref<1x79x128xi32, #tpu.memory_space<hbm>> -> memref<79x128xi32, #tpu.memory_space<hbm>>
      tpu.enqueue_dma source(%dma_start3A_19 : memref<79x128xi32, #tpu.memory_space<hbm>>) target(%arg7 : memref<79x128xi32, #tpu.memory_space<vmem>>) target_semaphore(%run_scoped3A : memref<!tpu.dma_semaphore, #tpu.memory_space<semaphore_mem>>)
      %dma_wait3A = arith.constant 0 : i32
      %dma_wait3A_20 = arith.constant 0 : i32
      %dma_wait3A_21 = tpu.memref_slice %arg3[%add3A, %dma_wait3A, %dma_wait3A_20] : memref<32x79x128xi32, #tpu.memory_space<hbm>> -> memref<1x79x128xi32, #tpu.memory_space<hbm>>
      %dma_wait3A_22 = tpu.memref_squeeze %dma_wait3A_21 : memref<1x79x128xi32, #tpu.memory_space<hbm>> -> memref<79x128xi32, #tpu.memory_space<hbm>>
      %dma_wait3A_23 = arith.constant 0 : i32
      %dma_wait3A_24 = arith.constant 0 : i32
      %dma_wait3A_25 = tpu.memref_slice %arg3[%add3A, %dma_wait3A_23, %dma_wait3A_24] : memref<32x79x128xi32, #tpu.memory_space<hbm>> -> memref<1x79x128xi32, #tpu.memory_space<hbm>>
      %dma_wait3A_26 = tpu.memref_squeeze %dma_wait3A_25 : memref<1x79x128xi32, #tpu.memory_space<hbm>> -> memref<79x128xi32, #tpu.memory_space<hbm>>
      tpu.wait_dma2 semaphore(%run_scoped3A : memref<!tpu.dma_semaphore, #tpu.memory_space<semaphore_mem>>) src(%dma_wait3A_26 : memref<79x128xi32, #tpu.memory_space<hbm>>) dst(%arg7 : memref<79x128xi32, #tpu.memory_space<vmem>>)
      tpu.yield
    }) : () -> ()
    "tpu.region"() ({
      %run_scoped3A = tpu.sem_alloc : memref<!tpu.dma_semaphore, #tpu.memory_space<semaphore_mem>>
      %dma_start3A = arith.constant 0 : i32
      %dma_start3A_13 = arith.constant 0 : i32
      %dma_start3A_14 = tpu.memref_slice %arg4[%add3A, %dma_start3A, %dma_start3A_13] : memref<32x79x128xi32, #tpu.memory_space<hbm>> -> memref<1x79x128xi32, #tpu.memory_space<hbm>>
      %dma_start3A_15 = tpu.memref_squeeze %dma_start3A_14 : memref<1x79x128xi32, #tpu.memory_space<hbm>> -> memref<79x128xi32, #tpu.memory_space<hbm>>
      %dma_start3A_16 = arith.constant 0 : i32
      %dma_start3A_17 = arith.constant 0 : i32
      %dma_start3A_18 = tpu.memref_slice %arg4[%add3A, %dma_start3A_16, %dma_start3A_17] : memref<32x79x128xi32, #tpu.memory_space<hbm>> -> memref<1x79x128xi32, #tpu.memory_space<hbm>>
      %dma_start3A_19 = tpu.memref_squeeze %dma_start3A_18 : memref<1x79x128xi32, #tpu.memory_space<hbm>> -> memref<79x128xi32, #tpu.memory_space<hbm>>
      tpu.enqueue_dma source(%dma_start3A_19 : memref<79x128xi32, #tpu.memory_space<hbm>>) target(%arg8 : memref<79x128xi32, #tpu.memory_space<vmem>>) target_semaphore(%run_scoped3A : memref<!tpu.dma_semaphore, #tpu.memory_space<semaphore_mem>>)
      %dma_wait3A = arith.constant 0 : i32
      %dma_wait3A_20 = arith.constant 0 : i32
      %dma_wait3A_21 = tpu.memref_slice %arg4[%add3A, %dma_wait3A, %dma_wait3A_20] : memref<32x79x128xi32, #tpu.memory_space<hbm>> -> memref<1x79x128xi32, #tpu.memory_space<hbm>>
      %dma_wait3A_22 = tpu.memref_squeeze %dma_wait3A_21 : memref<1x79x128xi32, #tpu.memory_space<hbm>> -> memref<79x128xi32, #tpu.memory_space<hbm>>
      %dma_wait3A_23 = arith.constant 0 : i32
      %dma_wait3A_24 = arith.constant 0 : i32
      %dma_wait3A_25 = tpu.memref_slice %arg4[%add3A, %dma_wait3A_23, %dma_wait3A_24] : memref<32x79x128xi32, #tpu.memory_space<hbm>> -> memref<1x79x128xi32, #tpu.memory_space<hbm>>
      %dma_wait3A_26 = tpu.memref_squeeze %dma_wait3A_25 : memref<1x79x128xi32, #tpu.memory_space<hbm>> -> memref<79x128xi32, #tpu.memory_space<hbm>>
      tpu.wait_dma2 semaphore(%run_scoped3A : memref<!tpu.dma_semaphore, #tpu.memory_space<semaphore_mem>>) src(%dma_wait3A_26 : memref<79x128xi32, #tpu.memory_space<hbm>>) dst(%arg8 : memref<79x128xi32, #tpu.memory_space<vmem>>)
      tpu.yield
    }) : () -> ()
    %barrier3A = arith.constant 0 : index
    tpu.barrier barrier_id(%barrier3A)
    %scan3A = arith.constant 0 : i32
    %scan3A_3 = arith.constant 0 : i32
    %scan3A_4 = arith.constant 79 : i32
    %scan3A_5 = arith.addi %scan3A_3, %scan3A_4 : i32
    %scan3A_6 = arith.constant 1 : i32
    scf.for %scan3A_13 = %scan3A_3 to %scan3A_5 step %scan3A_6  : i32 {
      %dma_start3A = arith.constant 0 : i32
      %dma_start3A_14 = tpu.memref_slice %arg7[%scan3A_13, %dma_start3A] : memref<79x128xi32, #tpu.memory_space<vmem>> -> memref<1x128xi32, #tpu.memory_space<vmem>>
      %dma_start3A_15 = tpu.memref_squeeze %dma_start3A_14 : memref<1x128xi32, #tpu.memory_space<vmem>> -> memref<128xi32, #tpu.memory_space<vmem>>
      %dma_start3A_16 = arith.constant 0 : i32
      %dma_start3A_17 = arith.constant 0 : i32
      %dma_start3A_18 = tpu.memref_slice %arg2[%dma_start3A_16, %dma_start3A_17] : memref<10112x128xf32, #tpu.memory_space<hbm>> -> memref<10112x128xf32, #tpu.memory_space<hbm>>
      tpu.enqueue_indirect_dma source(%dma_start3A_18 : memref<10112x128xf32, #tpu.memory_space<hbm>>) target(%arg9 : memref<128x128xf32, #tpu.memory_space<vmem>>) offsets(%dma_start3A_15 : memref<128xi32, #tpu.memory_space<vmem>>) semaphore(%arg11 : memref<!tpu.dma_semaphore, #tpu.memory_space<semaphore_mem>>)
      %dma_wait3A = arith.constant 0 : i32
      %dma_wait3A_19 = tpu.memref_slice %arg7[%scan3A_13, %dma_wait3A] : memref<79x128xi32, #tpu.memory_space<vmem>> -> memref<1x128xi32, #tpu.memory_space<vmem>>
      %dma_wait3A_20 = tpu.memref_squeeze %dma_wait3A_19 : memref<1x128xi32, #tpu.memory_space<vmem>> -> memref<128xi32, #tpu.memory_space<vmem>>
      %dma_wait3A_21 = arith.constant 0 : i32
      %dma_wait3A_22 = arith.constant 0 : i32
      %dma_wait3A_23 = tpu.memref_slice %arg2[%dma_wait3A_21, %dma_wait3A_22] : memref<10112x128xf32, #tpu.memory_space<hbm>> -> memref<10112x128xf32, #tpu.memory_space<hbm>>
      tpu.wait_indirect_dma semaphore(%arg11 : memref<!tpu.dma_semaphore, #tpu.memory_space<semaphore_mem>>) src(%dma_wait3A_23 : memref<10112x128xf32, #tpu.memory_space<hbm>>) dst(%arg9 : memref<128x128xf32, #tpu.memory_space<vmem>>)
      "tpu.region"() ({
        %run_scoped3A = tpu.sem_alloc : memref<!tpu.dma_semaphore, #tpu.memory_space<semaphore_mem>>
        %dma_start3A_24 = arith.constant 0 : i32
        %dma_start3A_25 = tpu.memref_slice %arg8[%scan3A_13, %dma_start3A_24] : memref<79x128xi32, #tpu.memory_space<vmem>> -> memref<1x128xi32, #tpu.memory_space<vmem>>
        %dma_start3A_26 = tpu.memref_squeeze %dma_start3A_25 : memref<1x128xi32, #tpu.memory_space<vmem>> -> memref<128xi32, #tpu.memory_space<vmem>>
        %dma_start3A_27 = arith.constant 0 : i32
        %dma_start3A_28 = arith.constant 0 : i32
        %dma_start3A_29 = tpu.memref_slice %arg10[%dma_start3A_27, %dma_start3A_28] : memref<10112x128xf32, #tpu.memory_space<vmem_shared>> -> memref<10112x128xf32, #tpu.memory_space<vmem_shared>>
        tpu.enqueue_indirect_dma source(%arg9 : memref<128x128xf32, #tpu.memory_space<vmem>>) target(%dma_start3A_29 : memref<10112x128xf32, #tpu.memory_space<vmem_shared>>) offsets(%dma_start3A_26 : memref<128xi32, #tpu.memory_space<vmem>>) semaphore(%run_scoped3A : memref<!tpu.dma_semaphore, #tpu.memory_space<semaphore_mem>>) {add = true}
        %dma_wait3A_30 = arith.constant 0 : i32
        %dma_wait3A_31 = tpu.memref_slice %arg8[%scan3A_13, %dma_wait3A_30] : memref<79x128xi32, #tpu.memory_space<vmem>> -> memref<1x128xi32, #tpu.memory_space<vmem>>
        %dma_wait3A_32 = tpu.memref_squeeze %dma_wait3A_31 : memref<1x128xi32, #tpu.memory_space<vmem>> -> memref<128xi32, #tpu.memory_space<vmem>>
        %dma_wait3A_33 = arith.constant 0 : i32
        %dma_wait3A_34 = arith.constant 0 : i32
        %dma_wait3A_35 = tpu.memref_slice %arg10[%dma_wait3A_33, %dma_wait3A_34] : memref<10112x128xf32, #tpu.memory_space<vmem_shared>> -> memref<10112x128xf32, #tpu.memory_space<vmem_shared>>
        tpu.wait_indirect_dma semaphore(%run_scoped3A : memref<!tpu.dma_semaphore, #tpu.memory_space<semaphore_mem>>) src(%arg9 : memref<128x128xf32, #tpu.memory_space<vmem>>) dst(%dma_wait3A_35 : memref<10112x128xf32, #tpu.memory_space<vmem_shared>>)
        tpu.yield
      }) : () -> ()
    }
    %scan3A_7 = arith.constant 79 : i32
    %barrier3A_8 = arith.constant 0 : index
    tpu.barrier barrier_id(%barrier3A_8)
    %mul3A_9 = arith.constant 632 : i32
    %mul3A_10 = arith.muli %arg1, %mul3A_9 : i32
    %mul3A_11 = arith.constant 632 : i32
    %mul3A_12 = arith.muli %arg1, %mul3A_11 : i32
    "tpu.region"() ({
      %run_scoped3A = tpu.sem_alloc : memref<!tpu.dma_semaphore, #tpu.memory_space<semaphore_mem>>
      %dma_start3A = arith.constant 0 : i32
      %dma_start3A_13 = arith.constant 0 : i32
      %dma_start3A_14 = tpu.memref_slice %arg6[%arg0, %dma_start3A, %dma_start3A_13] : memref<2x10112x128xf32, #tpu.memory_space<hbm>> -> memref<1x10112x128xf32, #tpu.memory_space<hbm>>
      %dma_start3A_15 = tpu.memref_squeeze %dma_start3A_14 : memref<1x10112x128xf32, #tpu.memory_space<hbm>> -> memref<10112x128xf32, #tpu.memory_space<hbm>>
      %dma_start3A_16 = arith.constant 0 : i32
      %dma_start3A_17 = tpu.memref_slice %dma_start3A_15[%mul3A_12, %dma_start3A_16] : memref<10112x128xf32, #tpu.memory_space<hbm>> -> memref<632x128xf32, #tpu.memory_space<hbm>>
      %dma_start3A_18 = arith.constant 0 : i32
      %dma_start3A_19 = tpu.memref_slice %arg10[%mul3A_10, %dma_start3A_18] : memref<10112x128xf32, #tpu.memory_space<vmem_shared>> -> memref<632x128xf32, #tpu.memory_space<vmem_shared>>
      tpu.enqueue_dma source(%dma_start3A_19 : memref<632x128xf32, #tpu.memory_space<vmem_shared>>) target(%dma_start3A_17 : memref<632x128xf32, #tpu.memory_space<hbm>>) target_semaphore(%run_scoped3A : memref<!tpu.dma_semaphore, #tpu.memory_space<semaphore_mem>>)
      %dma_wait3A = arith.constant 0 : i32
      %dma_wait3A_20 = arith.constant 0 : i32
      %dma_wait3A_21 = tpu.memref_slice %arg6[%arg0, %dma_wait3A, %dma_wait3A_20] : memref<2x10112x128xf32, #tpu.memory_space<hbm>> -> memref<1x10112x128xf32, #tpu.memory_space<hbm>>
      %dma_wait3A_22 = tpu.memref_squeeze %dma_wait3A_21 : memref<1x10112x128xf32, #tpu.memory_space<hbm>> -> memref<10112x128xf32, #tpu.memory_space<hbm>>
      %dma_wait3A_23 = arith.constant 0 : i32
      %dma_wait3A_24 = tpu.memref_slice %dma_wait3A_22[%mul3A_12, %dma_wait3A_23] : memref<10112x128xf32, #tpu.memory_space<hbm>> -> memref<632x128xf32, #tpu.memory_space<hbm>>
      %dma_wait3A_25 = arith.constant 0 : i32
      %dma_wait3A_26 = tpu.memref_slice %arg10[%mul3A_10, %dma_wait3A_25] : memref<10112x128xf32, #tpu.memory_space<vmem_shared>> -> memref<632x128xf32, #tpu.memory_space<vmem_shared>>
      tpu.wait_dma2 semaphore(%run_scoped3A : memref<!tpu.dma_semaphore, #tpu.memory_space<semaphore_mem>>) src(%dma_wait3A_26 : memref<632x128xf32, #tpu.memory_space<vmem_shared>>) dst(%dma_wait3A_24 : memref<632x128xf32, #tpu.memory_space<hbm>>)
      tpu.yield
    }) : () -> ()
    return
  }
}

module attributes {stable_mosaic.version = 14 : i64} {
  func.func @_softmax_body(%arg0: memref<3x8xf32, #tpu.memory_space<vmem>>, %arg1: memref<3x8xf32, #tpu.memory_space<vmem>>) attributes {dimension_semantics = [], scalar_prefetch = 0 : i64, scratch_operands = 0 : i64, tpu.core_type = #tpu.core_type<tc>} {
    %get3A = arith.constant 0 : index
    %get3A_0 = arith.constant 0 : index
    %get3A_1 = vector.load %arg0[%get3A, %get3A_0] : memref<3x8xf32, #tpu.memory_space<vmem>>, vector<3x8xf32>
    %reduce_max3A = arith.constant dense<0xFF800000> : vector<3xf32>
    %reduce_max3A_2 = vector.multi_reduction <maximumf>, %get3A_1, %reduce_max3A [1] : vector<3x8xf32> to vector<3xf32>
    %broadcast_in_dim3A = vector.shape_cast %reduce_max3A_2 : vector<3xf32> to vector<3x1xf32>
    %sub3A = vector.broadcast %broadcast_in_dim3A : vector<3x1xf32> to vector<3x8xf32>
    %sub3A_3 = arith.subf %get3A_1, %sub3A : vector<3x8xf32>
    %exp3A = math.exp %sub3A_3 : vector<3x8xf32>
    %reduce_sum3A = arith.constant dense<0.000000e+00> : vector<3xf32>
    %reduce_sum3A_4 = vector.multi_reduction <add>, %exp3A, %reduce_sum3A [1] : vector<3x8xf32> to vector<3xf32>
    %broadcast_in_dim3A_5 = vector.shape_cast %reduce_sum3A_4 : vector<3xf32> to vector<3x1xf32>
    %div3A = vector.broadcast %broadcast_in_dim3A_5 : vector<3x1xf32> to vector<3x8xf32>
    %div3A_6 = arith.divf %exp3A, %div3A : vector<3x8xf32>
    %swap3A = arith.constant 0 : index
    %swap3A_7 = arith.constant 0 : index
    %swap3A_8 = vector.load %arg1[%swap3A, %swap3A_7] : memref<3x8xf32, #tpu.memory_space<vmem>>, vector<3x8xf32>
    tpu.vector_store %arg1[%swap3A, %swap3A_7], %div3A_6 {strides = array<i32>} : memref<3x8xf32, #tpu.memory_space<vmem>>, vector<3x8xf32>,
    return
  }
}

module attributes {stable_mosaic.version = 14 : i64} {
  func.func @_proj_body(%arg0: memref<10112x128xf32, #tpu.memory_space<vmem>>, %arg1: memref<8x128x128xf32, #tpu.memory_space<vmem>>, %arg2: memref<8xf32, #tpu.memory_space<smem>>, %arg3: memref<10112x128xf32, #tpu.memory_space<vmem>>) attributes {dimension_semantics = [], scalar_prefetch = 0 : i64, scratch_operands = 0 : i64, tpu.core_type = #tpu.core_type<tc>} {
    %get3A = arith.constant 0 : index
    %get3A_0 = memref.load %arg2[%get3A] : memref<8xf32, #tpu.memory_space<smem>>
    %get3A_1 = arith.constant 0 : index
    %get3A_2 = arith.constant 0 : index
    %get3A_3 = arith.constant 0 : index
    %get3A_4 = vector.load %arg1[%get3A_1, %get3A_2, %get3A_3] : memref<8x128x128xf32, #tpu.memory_space<vmem>>, vector<1x128x128xf32>
    %get3A_5 = vector.shape_cast %get3A_4 : vector<1x128x128xf32> to vector<128x128xf32>
    %mul3A = vector.broadcast %get3A_0 : f32 to vector<128x128xf32>
    %mul3A_6 = arith.mulf %mul3A, %get3A_5 : vector<128x128xf32>
    %get3A_7 = arith.constant 1 : index
    %get3A_8 = memref.load %arg2[%get3A_7] : memref<8xf32, #tpu.memory_space<smem>>
    %get3A_9 = arith.constant 1 : index
    %get3A_10 = arith.constant 0 : index
    %get3A_11 = arith.constant 0 : index
    %get3A_12 = vector.load %arg1[%get3A_9, %get3A_10, %get3A_11] : memref<8x128x128xf32, #tpu.memory_space<vmem>>, vector<1x128x128xf32>
    %get3A_13 = vector.shape_cast %get3A_12 : vector<1x128x128xf32> to vector<128x128xf32>
    %mul3A_14 = vector.broadcast %get3A_8 : f32 to vector<128x128xf32>
    %mul3A_15 = arith.mulf %mul3A_14, %get3A_13 : vector<128x128xf32>
    %add3A = arith.addf %mul3A_6, %mul3A_15 : vector<128x128xf32>
    %get3A_16 = arith.constant 2 : index
    %get3A_17 = memref.load %arg2[%get3A_16] : memref<8xf32, #tpu.memory_space<smem>>
    %get3A_18 = arith.constant 2 : index
    %get3A_19 = arith.constant 0 : index
    %get3A_20 = arith.constant 0 : index
    %get3A_21 = vector.load %arg1[%get3A_18, %get3A_19, %get3A_20] : memref<8x128x128xf32, #tpu.memory_space<vmem>>, vector<1x128x128xf32>
    %get3A_22 = vector.shape_cast %get3A_21 : vector<1x128x128xf32> to vector<128x128xf32>
    %mul3A_23 = vector.broadcast %get3A_17 : f32 to vector<128x128xf32>
    %mul3A_24 = arith.mulf %mul3A_23, %get3A_22 : vector<128x128xf32>
    %add3A_25 = arith.addf %add3A, %mul3A_24 : vector<128x128xf32>
    %get3A_26 = arith.constant 3 : index
    %get3A_27 = memref.load %arg2[%get3A_26] : memref<8xf32, #tpu.memory_space<smem>>
    %get3A_28 = arith.constant 3 : index
    %get3A_29 = arith.constant 0 : index
    %get3A_30 = arith.constant 0 : index
    %get3A_31 = vector.load %arg1[%get3A_28, %get3A_29, %get3A_30] : memref<8x128x128xf32, #tpu.memory_space<vmem>>, vector<1x128x128xf32>
    %get3A_32 = vector.shape_cast %get3A_31 : vector<1x128x128xf32> to vector<128x128xf32>
    %mul3A_33 = vector.broadcast %get3A_27 : f32 to vector<128x128xf32>
    %mul3A_34 = arith.mulf %mul3A_33, %get3A_32 : vector<128x128xf32>
    %add3A_35 = arith.addf %add3A_25, %mul3A_34 : vector<128x128xf32>
    %get3A_36 = arith.constant 4 : index
    %get3A_37 = memref.load %arg2[%get3A_36] : memref<8xf32, #tpu.memory_space<smem>>
    %get3A_38 = arith.constant 4 : index
    %get3A_39 = arith.constant 0 : index
    %get3A_40 = arith.constant 0 : index
    %get3A_41 = vector.load %arg1[%get3A_38, %get3A_39, %get3A_40] : memref<8x128x128xf32, #tpu.memory_space<vmem>>, vector<1x128x128xf32>
    %get3A_42 = vector.shape_cast %get3A_41 : vector<1x128x128xf32> to vector<128x128xf32>
    %mul3A_43 = vector.broadcast %get3A_37 : f32 to vector<128x128xf32>
    %mul3A_44 = arith.mulf %mul3A_43, %get3A_42 : vector<128x128xf32>
    %add3A_45 = arith.addf %add3A_35, %mul3A_44 : vector<128x128xf32>
    %get3A_46 = arith.constant 5 : index
    %get3A_47 = memref.load %arg2[%get3A_46] : memref<8xf32, #tpu.memory_space<smem>>
    %get3A_48 = arith.constant 5 : index
    %get3A_49 = arith.constant 0 : index
    %get3A_50 = arith.constant 0 : index
    %get3A_51 = vector.load %arg1[%get3A_48, %get3A_49, %get3A_50] : memref<8x128x128xf32, #tpu.memory_space<vmem>>, vector<1x128x128xf32>
    %get3A_52 = vector.shape_cast %get3A_51 : vector<1x128x128xf32> to vector<128x128xf32>
    %mul3A_53 = vector.broadcast %get3A_47 : f32 to vector<128x128xf32>
    %mul3A_54 = arith.mulf %mul3A_53, %get3A_52 : vector<128x128xf32>
    %add3A_55 = arith.addf %add3A_45, %mul3A_54 : vector<128x128xf32>
    %get3A_56 = arith.constant 6 : index
    %get3A_57 = memref.load %arg2[%get3A_56] : memref<8xf32, #tpu.memory_space<smem>>
    %get3A_58 = arith.constant 6 : index
    %get3A_59 = arith.constant 0 : index
    %get3A_60 = arith.constant 0 : index
    %get3A_61 = vector.load %arg1[%get3A_58, %get3A_59, %get3A_60] : memref<8x128x128xf32, #tpu.memory_space<vmem>>, vector<1x128x128xf32>
    %get3A_62 = vector.shape_cast %get3A_61 : vector<1x128x128xf32> to vector<128x128xf32>
    %mul3A_63 = vector.broadcast %get3A_57 : f32 to vector<128x128xf32>
    %mul3A_64 = arith.mulf %mul3A_63, %get3A_62 : vector<128x128xf32>
    %add3A_65 = arith.addf %add3A_55, %mul3A_64 : vector<128x128xf32>
    %get3A_66 = arith.constant 7 : index
    %get3A_67 = memref.load %arg2[%get3A_66] : memref<8xf32, #tpu.memory_space<smem>>
    %get3A_68 = arith.constant 7 : index
    %get3A_69 = arith.constant 0 : index
    %get3A_70 = arith.constant 0 : index
    %get3A_71 = vector.load %arg1[%get3A_68, %get3A_69, %get3A_70] : memref<8x128x128xf32, #tpu.memory_space<vmem>>, vector<1x128x128xf32>
    %get3A_72 = vector.shape_cast %get3A_71 : vector<1x128x128xf32> to vector<128x128xf32>
    %mul3A_73 = vector.broadcast %get3A_67 : f32 to vector<128x128xf32>
    %mul3A_74 = arith.mulf %mul3A_73, %get3A_72 : vector<128x128xf32>
    %add3A_75 = arith.addf %add3A_65, %mul3A_74 : vector<128x128xf32>
    %get3A_76 = arith.constant 0 : index
    %get3A_77 = arith.constant 0 : index
    %get3A_78 = vector.load %arg0[%get3A_76, %get3A_77] : memref<10112x128xf32, #tpu.memory_space<vmem>>, vector<10112x128xf32>
    %dot_general3A = arith.constant dense<0.000000e+00> : vector<10112x128xf32>
    %dot_general3A_79 = tpu.matmul %get3A_78, %add3A_75, %dot_general3A {dimension_numbers = #tpu.dot_dimension_numbers<[1], [1], [0], [0], [0, 0, 1, 0], [], []>, transpose_lhs_hint = false} : vector<10112x128xf32>, vector<128x128xf32>, vector<10112x128xf32> -> vector<10112x128xf32>
    %swap3A = arith.constant 0 : index
    %swap3A_80 = arith.constant 0 : index
    %swap3A_81 = vector.load %arg3[%swap3A, %swap3A_80] : memref<10112x128xf32, #tpu.memory_space<vmem>>, vector<10112x128xf32>
    tpu.vector_store %arg3[%swap3A, %swap3A_80], %dot_general3A_79 {strides = array<i32>} : memref<10112x128xf32, #tpu.memory_space<vmem>>, vector<10112x128xf32>,
    return
  }
}

module attributes {stable_mosaic.version = 14 : i64} {
  func.func @_fuse_body(%arg0: memref<10112x128xf32, #tpu.memory_space<vmem>>, %arg1: memref<10112x128xf32, #tpu.memory_space<vmem>>, %arg2: memref<8x128x128xf32, #tpu.memory_space<vmem>>, %arg3: memref<8xf32, #tpu.memory_space<smem>>, %arg4: memref<10112x128xf32, #tpu.memory_space<vmem>>) attributes {dimension_semantics = [], scalar_prefetch = 0 : i64, scratch_operands = 0 : i64, tpu.core_type = #tpu.core_type<tc>} {
    %get3A = arith.constant 0 : index
    %get3A_0 = arith.constant 0 : index
    %get3A_1 = vector.load %arg0[%get3A, %get3A_0] : memref<10112x128xf32, #tpu.memory_space<vmem>>, vector<10112x128xf32>
    %get3A_2 = arith.constant 0 : index
    %get3A_3 = arith.constant 0 : index
    %get3A_4 = vector.load %arg1[%get3A_2, %get3A_3] : memref<10112x128xf32, #tpu.memory_space<vmem>>, vector<10112x128xf32>
    %add3A = arith.addf %get3A_1, %get3A_4 : vector<10112x128xf32>
    %max3A = arith.constant 0.000000e+00 : f32
    %max3A_5 = vector.broadcast %max3A : f32 to vector<10112x128xf32>
    %max3A_6 = arith.maximumf %add3A, %max3A_5 : vector<10112x128xf32>
    %get3A_7 = arith.constant 0 : index
    %get3A_8 = memref.load %arg3[%get3A_7] : memref<8xf32, #tpu.memory_space<smem>>
    %get3A_9 = arith.constant 0 : index
    %get3A_10 = arith.constant 0 : index
    %get3A_11 = arith.constant 0 : index
    %get3A_12 = vector.load %arg2[%get3A_9, %get3A_10, %get3A_11] : memref<8x128x128xf32, #tpu.memory_space<vmem>>, vector<1x128x128xf32>
    %get3A_13 = vector.shape_cast %get3A_12 : vector<1x128x128xf32> to vector<128x128xf32>
    %mul3A = vector.broadcast %get3A_8 : f32 to vector<128x128xf32>
    %mul3A_14 = arith.mulf %mul3A, %get3A_13 : vector<128x128xf32>
    %get3A_15 = arith.constant 1 : index
    %get3A_16 = memref.load %arg3[%get3A_15] : memref<8xf32, #tpu.memory_space<smem>>
    %get3A_17 = arith.constant 1 : index
    %get3A_18 = arith.constant 0 : index
    %get3A_19 = arith.constant 0 : index
    %get3A_20 = vector.load %arg2[%get3A_17, %get3A_18, %get3A_19] : memref<8x128x128xf32, #tpu.memory_space<vmem>>, vector<1x128x128xf32>
    %get3A_21 = vector.shape_cast %get3A_20 : vector<1x128x128xf32> to vector<128x128xf32>
    %mul3A_22 = vector.broadcast %get3A_16 : f32 to vector<128x128xf32>
    %mul3A_23 = arith.mulf %mul3A_22, %get3A_21 : vector<128x128xf32>
    %add3A_24 = arith.addf %mul3A_14, %mul3A_23 : vector<128x128xf32>
    %get3A_25 = arith.constant 2 : index
    %get3A_26 = memref.load %arg3[%get3A_25] : memref<8xf32, #tpu.memory_space<smem>>
    %get3A_27 = arith.constant 2 : index
    %get3A_28 = arith.constant 0 : index
    %get3A_29 = arith.constant 0 : index
    %get3A_30 = vector.load %arg2[%get3A_27, %get3A_28, %get3A_29] : memref<8x128x128xf32, #tpu.memory_space<vmem>>, vector<1x128x128xf32>
    %get3A_31 = vector.shape_cast %get3A_30 : vector<1x128x128xf32> to vector<128x128xf32>
    %mul3A_32 = vector.broadcast %get3A_26 : f32 to vector<128x128xf32>
    %mul3A_33 = arith.mulf %mul3A_32, %get3A_31 : vector<128x128xf32>
    %add3A_34 = arith.addf %add3A_24, %mul3A_33 : vector<128x128xf32>
    %get3A_35 = arith.constant 3 : index
    %get3A_36 = memref.load %arg3[%get3A_35] : memref<8xf32, #tpu.memory_space<smem>>
    %get3A_37 = arith.constant 3 : index
    %get3A_38 = arith.constant 0 : index
    %get3A_39 = arith.constant 0 : index
    %get3A_40 = vector.load %arg2[%get3A_37, %get3A_38, %get3A_39] : memref<8x128x128xf32, #tpu.memory_space<vmem>>, vector<1x128x128xf32>
    %get3A_41 = vector.shape_cast %get3A_40 : vector<1x128x128xf32> to vector<128x128xf32>
    %mul3A_42 = vector.broadcast %get3A_36 : f32 to vector<128x128xf32>
    %mul3A_43 = arith.mulf %mul3A_42, %get3A_41 : vector<128x128xf32>
    %add3A_44 = arith.addf %add3A_34, %mul3A_43 : vector<128x128xf32>
    %get3A_45 = arith.constant 4 : index
    %get3A_46 = memref.load %arg3[%get3A_45] : memref<8xf32, #tpu.memory_space<smem>>
    %get3A_47 = arith.constant 4 : index
    %get3A_48 = arith.constant 0 : index
    %get3A_49 = arith.constant 0 : index
    %get3A_50 = vector.load %arg2[%get3A_47, %get3A_48, %get3A_49] : memref<8x128x128xf32, #tpu.memory_space<vmem>>, vector<1x128x128xf32>
    %get3A_51 = vector.shape_cast %get3A_50 : vector<1x128x128xf32> to vector<128x128xf32>
    %mul3A_52 = vector.broadcast %get3A_46 : f32 to vector<128x128xf32>
    %mul3A_53 = arith.mulf %mul3A_52, %get3A_51 : vector<128x128xf32>
    %add3A_54 = arith.addf %add3A_44, %mul3A_53 : vector<128x128xf32>
    %get3A_55 = arith.constant 5 : index
    %get3A_56 = memref.load %arg3[%get3A_55] : memref<8xf32, #tpu.memory_space<smem>>
    %get3A_57 = arith.constant 5 : index
    %get3A_58 = arith.constant 0 : index
    %get3A_59 = arith.constant 0 : index
    %get3A_60 = vector.load %arg2[%get3A_57, %get3A_58, %get3A_59] : memref<8x128x128xf32, #tpu.memory_space<vmem>>, vector<1x128x128xf32>
    %get3A_61 = vector.shape_cast %get3A_60 : vector<1x128x128xf32> to vector<128x128xf32>
    %mul3A_62 = vector.broadcast %get3A_56 : f32 to vector<128x128xf32>
    %mul3A_63 = arith.mulf %mul3A_62, %get3A_61 : vector<128x128xf32>
    %add3A_64 = arith.addf %add3A_54, %mul3A_63 : vector<128x128xf32>
    %get3A_65 = arith.constant 6 : index
    %get3A_66 = memref.load %arg3[%get3A_65] : memref<8xf32, #tpu.memory_space<smem>>
    %get3A_67 = arith.constant 6 : index
    %get3A_68 = arith.constant 0 : index
    %get3A_69 = arith.constant 0 : index
    %get3A_70 = vector.load %arg2[%get3A_67, %get3A_68, %get3A_69] : memref<8x128x128xf32, #tpu.memory_space<vmem>>, vector<1x128x128xf32>
    %get3A_71 = vector.shape_cast %get3A_70 : vector<1x128x128xf32> to vector<128x128xf32>
    %mul3A_72 = vector.broadcast %get3A_66 : f32 to vector<128x128xf32>
    %mul3A_73 = arith.mulf %mul3A_72, %get3A_71 : vector<128x128xf32>
    %add3A_74 = arith.addf %add3A_64, %mul3A_73 : vector<128x128xf32>
    %get3A_75 = arith.constant 7 : index
    %get3A_76 = memref.load %arg3[%get3A_75] : memref<8xf32, #tpu.memory_space<smem>>
    %get3A_77 = arith.constant 7 : index
    %get3A_78 = arith.constant 0 : index
    %get3A_79 = arith.constant 0 : index
    %get3A_80 = vector.load %arg2[%get3A_77, %get3A_78, %get3A_79] : memref<8x128x128xf32, #tpu.memory_space<vmem>>, vector<1x128x128xf32>
    %get3A_81 = vector.shape_cast %get3A_80 : vector<1x128x128xf32> to vector<128x128xf32>
    %mul3A_82 = vector.broadcast %get3A_76 : f32 to vector<128x128xf32>
    %mul3A_83 = arith.mulf %mul3A_82, %get3A_81 : vector<128x128xf32>
    %add3A_84 = arith.addf %add3A_74, %mul3A_83 : vector<128x128xf32>
    %dot_general3A = arith.constant dense<0.000000e+00> : vector<10112x128xf32>
    %dot_general3A_85 = tpu.matmul %max3A_6, %add3A_84, %dot_general3A {dimension_numbers = #tpu.dot_dimension_numbers<[1], [1], [0], [0], [0, 0, 1, 0], [], []>, transpose_lhs_hint = false} : vector<10112x128xf32>, vector<128x128xf32>, vector<10112x128xf32> -> vector<10112x128xf32>
    %swap3A = arith.constant 0 : index
    %swap3A_86 = arith.constant 0 : index
    %swap3A_87 = vector.load %arg4[%swap3A, %swap3A_86] : memref<10112x128xf32, #tpu.memory_space<vmem>>, vector<10112x128xf32>
    tpu.vector_store %arg4[%swap3A, %swap3A_86], %dot_general3A_85 {strides = array<i32>} : memref<10112x128xf32, #tpu.memory_space<vmem>>, vector<10112x128xf32>,
    return
  }
}

module attributes {stable_mosaic.version = 14 : i64} {
  func.func @_add_body(%arg0: memref<10112x128xf32, #tpu.memory_space<vmem>>, %arg1: memref<10112x128xf32, #tpu.memory_space<vmem>>, %arg2: memref<10112x128xf32, #tpu.memory_space<vmem>>) attributes {dimension_semantics = [], scalar_prefetch = 0 : i64, scratch_operands = 0 : i64, tpu.core_type = #tpu.core_type<tc>} {
    %get3A = arith.constant 0 : index
    %get3A_0 = arith.constant 0 : index
    %get3A_1 = vector.load %arg0[%get3A, %get3A_0] : memref<10112x128xf32, #tpu.memory_space<vmem>>, vector<10112x128xf32>
    %get3A_2 = arith.constant 0 : index
    %get3A_3 = arith.constant 0 : index
    %get3A_4 = vector.load %arg1[%get3A_2, %get3A_3] : memref<10112x128xf32, #tpu.memory_space<vmem>>, vector<10112x128xf32>
    %add3A = arith.addf %get3A_1, %get3A_4 : vector<10112x128xf32>
    %swap3A = arith.constant 0 : index
    %swap3A_5 = arith.constant 0 : index
    %swap3A_6 = vector.load %arg2[%swap3A, %swap3A_5] : memref<10112x128xf32, #tpu.memory_space<vmem>>, vector<10112x128xf32>
    tpu.vector_store %arg2[%swap3A, %swap3A_5], %add3A {strides = array<i32>} : memref<10112x128xf32, #tpu.memory_space<vmem>>, vector<10112x128xf32>,
    return
  }
}

</mosaic_0001>

<sc_bundles>
// kernel: kernel.10.cloned.1.call-start
scs
__scs_entry_jumppad:
0x0: {  	(pc) =	sbr.rel $0x88, $3  }
0x1: {  	(tag) =	ssettag $0x0;
	lr =	simm.s32 $0x1  }
0x2: {  	[smem:$0x3F9D] =	sst lr;
	_ =	strace $0xD0000000  }
0x3: {  	_ = 	snop  }
0x4: {  	_ = 	snop  }
0x5: {  	_ = 	snop  }
0x6: {  	_ = 	snop  }
0x7: {  	_ = 	snop  }
__scs_overlays_trampoline_lowered:
0x8: {  	[smem:$0x3FAC] =	sst s0  }
0x9: {  	[smem:$0x3FAD] =	sst s1  }
0xa: {  	[smem:$0x3FAE] =	sst s2  }
0xb: {  	[smem:$0x3FAF] =	sst s3  }
0xc: {  	[smem:$0x3FB0] =	sst s4  }
0xd: {  	[smem:$0x3FB1] =	sst s5  }
0xe: {  	[smem:$0x3FB2] =	sst s6  }
0xf: {  	[smem:$0x3FB3] =	sst s7  }
0x10: {  	[smem:$0x3FB4] =	sst s8  }
0x11: {  	[smem:$0x3FB5] =	sst s9;
	s0 =	simm.s32 @!p0 $0x0  }
0x12: {  	s1 =	sld [smem:$0x3F9B];
	s0 =	simm.s32 @p0 $0x1  }
0x13: {  	[smem:$0x3FB6] =	sst s0;
	s0 =	simm.s32 @!p1 $0x0  }
0x14: {  	s2 =	sld [smem:$0x3F9A];
	s0 =	simm.s32 @p1 $0x1  }
0x15: {  	[smem:$0x3FB7] =	sst s0;
	s0 =	simm.s32 @!p2 $0x0  }
0x16: {  	s3 =	sld [smem:$0x3FDB];
	s0 =	simm.s32 @p2 $0x1  }
0x17: {  	s4 =	simm.s32 $0x1BF5;
	[smem:$0x3FB9] =	sst s0  }
0x18: {  	s0 =	sld [smem:$0x3F9C];
	_ =	swait.ge [sflag:s4], $0x0  }
0x19: {  	s7 =	sld [smem:$0x3F9D]  }
0x1a: {  	s8 =	sadd.s32 $0xFFFFE003, lr  }
0x1b: {  	s9 =	sadd.s32 $0xFFFFFEF7, lr;
	s5 =	simm.s32 $0xFFFFFFFF;
	p2 =	slt.u32 s8, $0xFFFFF086  }
0x1c: {  	p1 =	slt.u32 s9, $0xF7A;
	s5 =	simm.s32 @!p2 $0x0  }
0x1d: {  	s5 =	simm.s32 @p1 $0x1;
	p0 =	seq.s32 s7, s2  }
0x1e: {  	s7 =	smul.u32 @!p0 $0xF7A, s2;
	p2 =	seq.s32 @!p0 s5, $0x0  }
0x1f: {  	s9 =	smul.u32 $0xF7A, s1;
	s8 =	simm.s32 @!p0 $0x1BF5;
	p2 =	por !p2, p0  }
0x20: {  	[sflag:s8] =	ssyncset.s32 @!p0 $0xFFFFF086;
	s6 =	sadd.s32 @!p0 s3, s7;
	s7 =	simm.s32 @!p0 $0x108  }
0x21: {  	s3 =	sadd.s32 s3, s9;
	s6 =	sadd.s32 @!p0 $0x88, s6;
	s7 =	simm.s32 @p2 $0x1082  }
0x22: {  	[simem:s7], [sflag:s8] =	dma.local @!p0 [hbm:s6], $0xF7A  }
0x23: {  	s9 =	sor.u32 $0xD0000000, s2;
	s6 =	simm.s32 $0x108;
	_ =	swait.ge @!p0 [sflag:s8], $0x0  }
0x24: {  	s3 =	sadd.s32 $0x88, s3;
	s6 =	simm.s32 @!p1 $0x1082;
	[sflag:s4] =	ssyncset.s32 $0xFFFFF086  }
0x25: {  	[simem:s6], [sflag:s4] =	dma.local [hbm:s3], $0xF7A  }
0x26: {  	[smem:$0x3F9D] =	sst s1;
	(tag) =	ssettag s2;
	_ =	strace s9  }
0x27: {  	s1 =	sld [smem:$0x3FAD]  }
0x28: {  	s2 =	sld [smem:$0x3FAE]  }
0x29: {  	s4 =	sld [smem:$0x3FB0]  }
0x2a: {  	p0 =	seq.s32 s5, $0x0;
	s5 =	sld [smem:$0x3FB1]  }
0x2b: {  	s6 =	sld [smem:$0x3FB2]  }
0x2c: {  	s7 =	sld [smem:$0x3FB3]  }
0x2d: {  	s3 =	simm.s32 $0x108;
	s8 =	sld [smem:$0x3FB4]  }
0x2e: {  	s3 =	simm.s32 @!p0 $0x1082;
	s9 =	sld [smem:$0x3FB5]  }
0x2f: {  	lr =	sadd.s32 s0, s3;
	s0 =	sld [smem:$0x3FAC]  }
0x30: {  	s3 =	sld [smem:$0x3FAF]  }
0x31: {  	[smem:$0x3FB8] =	sst s10  }
0x32: {  	s10 =	sld [smem:$0x3FB6];
	_ =	sdelay $0x3  }
0x33: {  	p0 =	seq.s32 s10, $0x1;
	s10 =	sld [smem:$0x3FB8];
	_ =	sdelay $0x3  }
0x34: {  	[smem:$0x3FB8] =	sst s10  }
0x35: {  	s10 =	sld [smem:$0x3FB7];
	_ =	sdelay $0x3  }
0x36: {  	p1 =	seq.s32 s10, $0x1;
	s10 =	sld [smem:$0x3FB8];
	_ =	sdelay $0x3  }
0x37: {  	[smem:$0x3FB8] =	sst s10  }
0x38: {  	s10 =	sld [smem:$0x3FB9]  }
0x39: {  	_ = 	snop;
	(pc) =	sbr.ind lr, $3  }
0x3a: {  	_ = 	snop  }
0x3b: {  	_ = 	snop  }
0x3c: {  	p2 =	seq.s32 s10, $0x1;
	s10 =	sld [smem:$0x3FB8]  }
0x3d: {  	_ =	shalt  }
0x3e: {  	_ =	shalt  }
0x3f: {  	_ =	shalt  }
0x40: {  	_ =	shalt  }
0x41: {  	_ =	shalt  }
0x42: {  	_ =	shalt  }
0x43: {  	_ =	shalt  }
0x44: {  	_ =	shalt  }
0x45: {  	_ =	shalt  }
0x46: {  	_ =	shalt  }
0x47: {  	_ =	shalt  }
0x48: {  	_ =	shalt  }
0x49: {  	_ =	shalt  }
0x4a: {  	_ =	shalt  }
0x4b: {  	_ =	shalt  }
0x4c: {  	_ =	shalt  }
0x4d: {  	_ =	shalt  }
0x4e: {  	_ =	shalt  }
0x4f: {  	_ =	shalt  }
0x50: {  	_ =	shalt  }
0x51: {  	_ =	shalt  }
0x52: {  	_ =	shalt  }
0x53: {  	_ =	shalt  }
0x54: {  	_ =	shalt  }
0x55: {  	_ =	shalt  }
0x56: {  	_ =	shalt  }
0x57: {  	_ =	shalt  }
0x58: {  	_ =	shalt  }
0x59: {  	_ =	shalt  }
0x5a: {  	_ =	shalt  }
0x5b: {  	_ =	shalt  }
0x5c: {  	_ =	shalt  }
0x5d: {  	_ =	shalt  }
0x5e: {  	_ =	shalt  }
0x5f: {  	_ =	shalt  }
0x60: {  	_ =	shalt  }
0x61: {  	_ =	shalt  }
0x62: {  	_ =	shalt  }
0x63: {  	_ =	shalt  }
0x64: {  	_ =	shalt  }
0x65: {  	_ =	shalt  }
0x66: {  	_ =	shalt  }
0x67: {  	_ =	shalt  }
0x68: {  	_ =	shalt  }
0x69: {  	_ =	shalt  }
0x6a: {  	_ =	shalt  }
0x6b: {  	_ =	shalt  }
0x6c: {  	_ =	shalt  }
0x6d: {  	_ =	shalt  }
0x6e: {  	_ =	shalt  }
0x6f: {  	_ =	shalt  }
0x70: {  	_ =	shalt  }
0x71: {  	_ =	shalt  }
0x72: {  	_ =	shalt  }
0x73: {  	_ =	shalt  }
0x74: {  	_ =	shalt  }
0x75: {  	_ =	shalt  }
0x76: {  	_ =	shalt  }
0x77: {  	_ =	shalt  }
0x78: {  	_ =	shalt  }
0x79: {  	_ =	shalt  }
0x7a: {  	_ =	shalt  }
0x7b: {  	_ =	shalt  }
0x7c: {  	_ =	shalt  }
0x7d: {  	_ =	shalt  }
0x7e: {  	_ =	shalt  }
0x7f: {  	_ =	shalt  }
0x80: {  	_ =	shalt  }
0x81: {  	_ =	shalt  }
0x82: {  	_ =	shalt  }
0x83: {  	_ =	shalt  }
0x84: {  	_ =	shalt  }
0x85: {  	_ =	shalt  }
0x86: {  	_ =	shalt  }
0x87: {  	_ =	shalt  }
.Lfunc_end0:
.L_simem_size_0:
called_computation_lowered:
.L_overlay_start_0:
0x88: {  	s2 =	sld [smem:$0x3FD9]  }
0x89: {  	s3 =	sld [smem:$0x3FFE];
	_ =	sdelay $0x1  }
0x8a: {  	s1 =	srdreg.scid  }
0x8b: {  	s0 =	sand.u32 $0x1, s1  }
0x8c: {  	s17 =	sshll.u32 s0, $0xA;
	s2 =	sadd.s32 s3, s2  }
0x8d: {  	s2 =	sadd.s32 s2, s17  }
0x8e: {  	[smem:$0x3FC4] =	sst s2  }
0x8f: {  	_ = 	snop  }
0x90: {  	s2 =	sld [smem:$0x3FD0];
	(tm) =	ssettm $0x1  }
0x91: {  	s18 =	sld [smem:$0x3FFB];
	_ =	sdelay $0x3  }
0x92: {  	_ =	strace s18  }
0x93: {  	s3 =	sld [smem:$0x3FFC];
	_ =	sdelay $0x3  }
0x94: {  	_ =	strace s3  }
0x95: {  	s3 =	sld [smem:$0x3FFD];
	_ =	sdelay $0x3  }
0x96: {  	_ =	strace s3  }
0x97: {  	_ =	strace $0x8FFFFFFF  }
0x98: {  	s19 =	sld [smem:$0x3FDB];
	_ =	sdelay $0x1  }
0x99: {  	s4 =	simm.s32 $_scs_section_size  }
0x9a: {  	s5 =	simm.s32 $_size__tile_overlayer_lowered;
	s6 =	simm.s32 $_tile_overlayer_lowered  }
0x9b: {  	s22 =	simm.s32 $0x1BFF;
	s21 =	sshll.u32 s6, $0x1;
	s3 =	sadd.s32 s4, s19  }
0x9c: {  	s7 =	simm.s32 $0x0;
	s20 =	sshll.u32 s5, $0x1;
	s5 =	sadd.s32 s21, s3  }
0x9d: {  	[timem:s7], [sflag:s22] =	dma.local [hbm:s5], s20  }
0x9e: {  	_ =	swait.ge [sflag:s22], s20  }
0x9f: {  	s4 =	ssub.s32 $0x0, s20;
	[sflag:s22] =	ssyncset.done $0x0  }
0xa0: {  	[sflag:s22] =	ssyncadd.s32 s4;
	_ =	sdelay $0x1  }
0xa1: {  	s23 =	simm.s32 $0x1B8B  }
0xa2: {  	_ =	swait.ge [sflag:s23], $0x1  }
0xa3: {  	[sflag:s23] =	ssyncset.done $0x0  }
0xa4: {  	s25 =	simm.s32 $0x1B8E;
	s24 =	sld [smem:$0x3FFE];
	[sflag:s23] =	ssyncadd.s32 $0xFFFFFFFF  }
0xa5: {  	s26 =	simm.s32 $execute0_lowered;
	[smem:$0x3FD2] =	sst s25  }
0xa6: {  	s5 =	sshll.u32 s26, $0x1;
	_ =	strace $0x80000046;
	[dreg:$0x1] =	wrdreg $0xFFFFFFFF  }
0xa7: {  	s28 =	simm.s32 $_size_execute0_lowered;
	s3 =	sadd.s32 s3, s5;
	[dreg:$0x0] =	wrdreg $0x0  }
0xa8: {  	s5 =	sshll.u32 s28, $0x1;
	[dreg:$0x2] =	wrdreg s3  }
0xa9: {  	[dreg:$0x3] =	wrdreg s5  }
0xaa: {  	[dreg:$0x4] =	wrdreg $0xC0  }
0xab: {  	_ =	task [dreg:s7], $0x5FFFF  }
0xac: {  	[dreg:$0x1] =	wrdreg $0xFFFFFFFF  }
0xad: {  	[dreg:$0x0] =	wrdreg $0x60  }
0xae: {  	[dreg:$0x2] =	wrdreg s24  }
0xaf: {  	[dreg:$0x3] =	wrdreg s2  }
0xb0: {  	[dreg:$0x4] =	wrdreg $0x90000  }
0xb1: {  	[dreg:$0x5] =	wrdreg $0x9  }
0xb2: {  	_ =	task.clear_ibuf [dreg:s7], $0x6FFFF;
	_ =	strace $0x90000046  }
0xb3: {  	s29 =	simm.s32 $0x9;
	_ =	strace $0x80000048  }
0xb4: {  	_ =	swait.ge [sflag:s29], $0x1  }
0xb5: {  	[sflag:s29] =	ssyncadd.s32 $0xFFFFFFFF  }
0xb6: {  	_ =	strace $0x90000048  }
0xb7: {  	_ =	sfence  }
0xb8: {  	s30 =	sld [smem:$0x0];
	_ =	sdelay $0x2  }
0xb9: {  	s31 =	sshll.u32 s1, $0xD;
	s1 =	sshrl.u32 s1, $0x2  }
0xba: {  	s3 =	sand.u32 $0x4000, s31;
	s1 =	sadd.s32 s1, s30  }
0xbb: {  	s0 =	sor.u32 s3, s0;
	s1 =	sshll.u32 s1, $0x11  }
0xbc: {  	s0 =	sor.u32 s1, s0  }
0xbd: {  	s0 =	sadd.s32 $0x8F2B, s0  }
0xbe: {  	[sflag:s0] =	ssyncadd.remote.s32 $0x1  }
0xbf: {  	_ =	sfence.sel $0xFFFF  }
0xc0: {  	[dreg:$0x0] =	wrdreg $0xFFFFFFFF;
	(pc) =	sbr.abs _section_cstart, $3  }
0xc1: {  	[dreg:$0x1] =	wrdreg $0xFFFFFFFF  }
0xc2: {  	_ =	task.clear_ibuf [dreg:s7], $0x2FFFF;
	_ =	strace $0x9FFFFFFF  }
0xc3: {  	(tm) =	ssettm $0x7FFFFFFF  }
tec
execute0_lowered:
.L_overlay_start_1:
0x0: {  	(tag) =	ssettag $0x1  }
0x1: {  	s6 =	rddreg [dreg:$0x0]  }
0x2: {  	s7 =	rddreg [dreg:$0x1];
	s1 =	srdreg.scid  }
0x3: {  	s0 =	stileid.u32;
	s2 =	rddreg [dreg:$0x2];
	s3 =	simm.s32 $0x0  }
0x4: {  	s14 =	simm.s32 $0x5000;
	s15 =	simm.s32 $0x1;
	s5 =	sand.u32 $0x1, s1  }
0x5: {  	s4 =	sshll.u32 s0, $0x1;
	s1 =	rddreg [dreg:$0x3];
	s12 =	smul.u32 $0x4F000, s0  }
0x6: {  	[smem:$0x7FF] =	sst s3;
	s31 =	sshll.u32 s0, $0x6;
	s17 =	smul.u32 $0x2780, s0  }
0x7: {  	s4 =	sor.u32 s5, s4;
	_ =	strace $0x80000047;
	s9 =	smul.u32 $0x27800, s5  }
0x8: {  	s11 =	ssub.s32 $0x2, s5;
	s5 =	sadd.s32 $0x33800, s6;
	s8 =	smul.u32 $0x500, s4  }
0x9: {  	s4 =	sadd.s32 $0xC000, s6;
	s29 =	sshrl.u32 s11, $0x1;
	s30 =	sshrl.u32 s12, $0x2  }
0xa: {  	s12 =	simm.s32 $0x2800;
	s9 =	sadd.s32 s9, s6;
	s11 =	ssub.s32 s11, s29  }
0xb: {  	s13 =	sadd.s32 s30, s2;
	s10 =	sadd.s32 s8, s6;
	s6 =	sor.u32 $0x1C02, s31  }
0xc: {  	s7 =	sadd.s32 s7, s8;
	s16 =	sadd.s32 $0x36000, s9;
	s9 =	smax.u32 s11, $0x1  }
0xd: {  	s11 =	simm.s32 $0x2;
	s8 =	sadd.s32 $0x2000, s10;
	s10 =	sshrl.u32 s13, $0x3  }
0xe: {  	s13 =	simm.s32 $0x80;
	s16 =	sadd.s32 s17, s16;
	s17 =	simm.s32 $0x0  }
.LBB2_1:
0xf: {  	[spmem:s10], [sflag:s6] =	dma.local [hbm:s5], $0x2780  }
0x10: {  	_ =	swait.ge [sflag:s11], $0x2780  }
0x11: {  	[sflag:s11] =	ssyncset.done $0x0  }
0x12: {  	[sflag:s11] =	ssyncadd.s32 $0xFFFFD880  }
0x13: {  	[tilespmem:s3], [sflag:$0x2] =	stream.linear.gather [hbm4b:s7+s3], $0x2780, $0x38;
	[tilespmem:$0x1CC00] =	vst v63  }
0x14: {  	_ =	swait.ge [sflag:s11], $0x2780  }
0x15: {  	[sflag:s11] =	ssyncset.done $0x0  }
0x16: {  	[sflag:s11] =	ssyncadd.s32 $0xFFFFD880  }
0x17: {  	[tilespmem:s12], [sflag:$0x2] =	stream.linear.gather [hbm4b:s8+s3], $0x2780, $0x38;
	[tilespmem:$0x1CC00] =	vst v63  }
0x18: {  	_ =	swait.ge [sflag:s11], $0x2780  }
0x19: {  	[sflag:s11] =	ssyncset.done $0x0  }
0x1a: {  	[sflag:s11] =	ssyncadd.s32 $0xFFFFD880  }
0x1b: {  	s18 =	simm.s32 $0x0;
	[bflag:$0x0] =	sbarrier.arrive $0xFFFF  }
0x1c: {  	[tilespmem:s14], [sflag:$0x1] =	stream.indirect.gather [hbm4b:s4+s13], $0x80, s18, s13, $0xb8;
	[tilespmem:$0x1CC00] =	vst v63  }
0x1d: {  	_ =	swait.ge [sflag:s15], $0x4000  }
0x1e: {  	[sflag:s15] =	ssyncset.done $0x0  }
0x1f: {  	s31 =	simm.s32 $0x2800;
	[sflag:s15] =	ssyncadd.s32 $0xFFFFC000  }
0x20: {  	[spmem:s2] =	stream.indirect.scatter.add.f32 [tilespmem:s14], [sflag:$0x2], $0x80, s31, s13, $0xb8;
	[tilespmem:$0x1CC00] =	vst v63  }
0x21: {  	_ =	swait.ge [sflag:s11], $0x4000  }
0x22: {  	s19 =	simm.s32 $0x400;
	s18 =	simm.s32 $0x200;
	[sflag:s11] =	ssyncset.done $0x0  }
.LBB2_2:
0x23: {  	s20 =	sshra.s32 s18, $0x2  }
0x24: {  	[sflag:s11] =	ssyncadd.s32 $0xFFFFC000;
	s18 =	smov.u32 s19;
	s21 =	sadd.s32 $0x200, s19  }
0x25: {  	[tilespmem:s14], [sflag:$0x1] =	stream.indirect.gather [hbm4b:s4+s13], $0x80, s20, s13, $0xb8;
	[tilespmem:$0x1CC00] =	vst v63  }
0x26: {  	p0 =	sne.s32 s19, $0x9C00;
	_ =	swait.ge [sflag:s15], $0x4000  }
.Ltmp0:
0x27: {  	[sflag:s15] =	ssyncset.done $0x0;
	(pc) =	sbr.rel @p0 .LBB2_2-.Ltmp0, $4  }
0x28: {  	s19 =	sadd.s32 $0x2800, s20;
	[sflag:s15] =	ssyncadd.s32 $0xFFFFC000  }
0x29: {  	[spmem:s2] =	stream.indirect.scatter.add.f32 [tilespmem:s14], [sflag:$0x2], $0x80, s19, s13, $0xb8;
	[tilespmem:$0x1CC00] =	vst v63  }
0x2a: {  	_ =	swait.ge [sflag:s11], $0x4000  }
0x2b: {  	s19 =	smov.u32 s21;
	[sflag:s11] =	ssyncset.done $0x0  }
0x2c: {  	s18 =	sshra.s32 s18, $0x2;
	[sflag:s11] =	ssyncadd.s32 $0xFFFFC000  }
0x2d: {  	[tilespmem:s14], [sflag:$0x1] =	stream.indirect.gather [hbm4b:s4+s13], $0x80, s18, s13, $0xb8;
	[tilespmem:$0x1CC00] =	vst v63  }
0x2e: {  	_ =	swait.ge [sflag:s15], $0x4000  }
0x2f: {  	[sflag:s15] =	ssyncset.done $0x0  }
0x30: {  	s18 =	sadd.s32 $0x2800, s18;
	[sflag:s15] =	ssyncadd.s32 $0xFFFFC000  }
0x31: {  	[spmem:s2] =	stream.indirect.scatter.add.f32 [tilespmem:s14], [sflag:$0x2], $0x80, s18, s13, $0xb8;
	[tilespmem:$0x1CC00] =	vst v63  }
0x32: {  	_ =	swait.ge [sflag:s11], $0x4000  }
0x33: {  	s17 =	sadd.s32 $0x1, s17;
	[sflag:s11] =	ssyncset.done $0x0  }
0x34: {  	p0 =	sne.s32 s17, s9;
	[sflag:s11] =	ssyncadd.s32 $0xFFFFC000  }
.Ltmp1:
0x35: {  	[bflag:$0x0] =	sbarrier.arrive $0xFFFF;
	(pc) =	sbr.rel @p0 .LBB2_1-.Ltmp1, $4  }
0x36: {  	[hbm:s16], [sflag:s6] =	dma.local [spmem:s10], $0x2780  }
0x37: {  	_ =	swait.ge [sflag:s11], $0x2780  }
0x38: {  	[sflag:s11] =	ssyncset.done $0x0  }
0x39: {  	[sflag:s11] =	ssyncadd.s32 $0xFFFFD880  }
0x3a: {  	_ =	sfence.sel $0x180000  }
0x3b: {  	[bflag:$0x0] =	sbarrier.arrive $0xFFFF  }
0x3c: {  	p0 =	sne.s32 s0, $0x0;
	_ =	strace $0x90000047  }
0x3d: {  	s0 =	sadd.s32 @!p0 $0x100000, s1;
	[bflag:$0x2] =	sbarrier.arrive $0xFFFF  }
0x3e: {  	[sflag:s0] =	ssyncadd.tile.s32 @!p0 $0x1;
	_ =	shalt  }
.Lfunc_end2:
_tile_overlayer_lowered:
.L_overlay_start_2:
0x3f: {  	(tag) =	ssettag $0x2  }
0x40: {  	s0 =	rddreg [dreg:$0x0];
	s2 =	stileid.u32  }
0x41: {  	s1 =	rddreg [dreg:$0x1];
	p0 =	sne.s32 s2, $0x0  }
0x42: {  	s3 =	rddreg [dreg:$0x2];
	[bflag:$0x3] =	sbarrier.arrive $0xFFFF;
	s2 =	simm.s32 @!p0 $0x1C02  }
0x43: {  	[timem:s3], [sflag:s2] =	dma.local @!p0 [hbm:s0], s1  }
0x44: {  	s0 =	simm.s32 @!p0 $0x2  }
0x45: {  	_ =	swait.ge @!p0 [sflag:s0], s1  }
0x46: {  	s1 =	ssub.s32 @!p0 $0x0, s1;
	[sflag:s0] =	ssyncset.done @!p0 $0x0  }
0x47: {  	[sflag:s0] =	ssyncadd.s32 @!p0 s1  }
0x48: {  	[bflag:$0x3] =	sbarrier.arrive $0xFFFF  }
0x49: {  	_ =	shalt  }

// kernel: kernel.13.cloned.1.call-start
scs
__scs_entry_jumppad:
0x0: {  	(pc) =	sbr.rel $0x88, $3  }
0x1: {  	(tag) =	ssettag $0x0;
	lr =	simm.s32 $0x1  }
0x2: {  	[smem:$0x3F9D] =	sst lr;
	_ =	strace $0xD0000000  }
0x3: {  	_ = 	snop  }
0x4: {  	_ = 	snop  }
0x5: {  	_ = 	snop  }
0x6: {  	_ = 	snop  }
0x7: {  	_ = 	snop  }
__scs_overlays_trampoline_lowered:
0x8: {  	[smem:$0x3FAC] =	sst s0  }
0x9: {  	[smem:$0x3FAD] =	sst s1  }
0xa: {  	[smem:$0x3FAE] =	sst s2  }
0xb: {  	[smem:$0x3FAF] =	sst s3  }
0xc: {  	[smem:$0x3FB0] =	sst s4  }
0xd: {  	[smem:$0x3FB1] =	sst s5  }
0xe: {  	[smem:$0x3FB2] =	sst s6  }
0xf: {  	[smem:$0x3FB3] =	sst s7  }
0x10: {  	[smem:$0x3FB4] =	sst s8  }
0x11: {  	[smem:$0x3FB5] =	sst s9;
	s0 =	simm.s32 @!p0 $0x0  }
0x12: {  	s1 =	sld [smem:$0x3F9B];
	s0 =	simm.s32 @p0 $0x1  }
0x13: {  	[smem:$0x3FB6] =	sst s0;
	s0 =	simm.s32 @!p1 $0x0  }
0x14: {  	s2 =	sld [smem:$0x3F9A];
	s0 =	simm.s32 @p1 $0x1  }
0x15: {  	[smem:$0x3FB7] =	sst s0;
	s0 =	simm.s32 @!p2 $0x0  }
0x16: {  	s3 =	sld [smem:$0x3FDB];
	s0 =	simm.s32 @p2 $0x1  }
0x17: {  	s4 =	simm.s32 $0x1BF5;
	[smem:$0x3FB9] =	sst s0  }
0x18: {  	s0 =	sld [smem:$0x3F9C];
	_ =	swait.ge [sflag:s4], $0x0  }
0x19: {  	s7 =	sld [smem:$0x3F9D]  }
0x1a: {  	s8 =	sadd.s32 $0xFFFFE003, lr  }
0x1b: {  	s9 =	sadd.s32 $0xFFFFFEF7, lr;
	s5 =	simm.s32 $0xFFFFFFFF;
	p2 =	slt.u32 s8, $0xFFFFF086  }
0x1c: {  	p1 =	slt.u32 s9, $0xF7A;
	s5 =	simm.s32 @!p2 $0x0  }
0x1d: {  	s5 =	simm.s32 @p1 $0x1;
	p0 =	seq.s32 s7, s2  }
0x1e: {  	s7 =	smul.u32 @!p0 $0xF7A, s2;
	p2 =	seq.s32 @!p0 s5, $0x0  }
0x1f: {  	s9 =	smul.u32 $0xF7A, s1;
	s8 =	simm.s32 @!p0 $0x1BF5;
	p2 =	por !p2, p0  }
0x20: {  	[sflag:s8] =	ssyncset.s32 @!p0 $0xFFFFF086;
	s6 =	sadd.s32 @!p0 s3, s7;
	s7 =	simm.s32 @!p0 $0x108  }
0x21: {  	s3 =	sadd.s32 s3, s9;
	s6 =	sadd.s32 @!p0 $0x88, s6;
	s7 =	simm.s32 @p2 $0x1082  }
0x22: {  	[simem:s7], [sflag:s8] =	dma.local @!p0 [hbm:s6], $0xF7A  }
0x23: {  	s9 =	sor.u32 $0xD0000000, s2;
	s6 =	simm.s32 $0x108;
	_ =	swait.ge @!p0 [sflag:s8], $0x0  }
0x24: {  	s3 =	sadd.s32 $0x88, s3;
	s6 =	simm.s32 @!p1 $0x1082;
	[sflag:s4] =	ssyncset.s32 $0xFFFFF086  }
0x25: {  	[simem:s6], [sflag:s4] =	dma.local [hbm:s3], $0xF7A  }
0x26: {  	[smem:$0x3F9D] =	sst s1;
	(tag) =	ssettag s2;
	_ =	strace s9  }
0x27: {  	s1 =	sld [smem:$0x3FAD]  }
0x28: {  	s2 =	sld [smem:$0x3FAE]  }
0x29: {  	s4 =	sld [smem:$0x3FB0]  }
0x2a: {  	p0 =	seq.s32 s5, $0x0;
	s5 =	sld [smem:$0x3FB1]  }
0x2b: {  	s6 =	sld [smem:$0x3FB2]  }
0x2c: {  	s7 =	sld [smem:$0x3FB3]  }
0x2d: {  	s3 =	simm.s32 $0x108;
	s8 =	sld [smem:$0x3FB4]  }
0x2e: {  	s3 =	simm.s32 @!p0 $0x1082;
	s9 =	sld [smem:$0x3FB5]  }
0x2f: {  	lr =	sadd.s32 s0, s3;
	s0 =	sld [smem:$0x3FAC]  }
0x30: {  	s3 =	sld [smem:$0x3FAF]  }
0x31: {  	[smem:$0x3FB8] =	sst s10  }
0x32: {  	s10 =	sld [smem:$0x3FB6];
	_ =	sdelay $0x3  }
0x33: {  	p0 =	seq.s32 s10, $0x1;
	s10 =	sld [smem:$0x3FB8];
	_ =	sdelay $0x3  }
0x34: {  	[smem:$0x3FB8] =	sst s10  }
0x35: {  	s10 =	sld [smem:$0x3FB7];
	_ =	sdelay $0x3  }
0x36: {  	p1 =	seq.s32 s10, $0x1;
	s10 =	sld [smem:$0x3FB8];
	_ =	sdelay $0x3  }
0x37: {  	[smem:$0x3FB8] =	sst s10  }
0x38: {  	s10 =	sld [smem:$0x3FB9]  }
0x39: {  	_ = 	snop;
	(pc) =	sbr.ind lr, $3  }
0x3a: {  	_ = 	snop  }
0x3b: {  	_ = 	snop  }
0x3c: {  	p2 =	seq.s32 s10, $0x1;
	s10 =	sld [smem:$0x3FB8]  }
0x3d: {  	_ =	shalt  }
0x3e: {  	_ =	shalt  }
0x3f: {  	_ =	shalt  }
0x40: {  	_ =	shalt  }
0x41: {  	_ =	shalt  }
0x42: {  	_ =	shalt  }
0x43: {  	_ =	shalt  }
0x44: {  	_ =	shalt  }
0x45: {  	_ =	shalt  }
0x46: {  	_ =	shalt  }
0x47: {  	_ =	shalt  }
0x48: {  	_ =	shalt  }
0x49: {  	_ =	shalt  }
0x4a: {  	_ =	shalt  }
0x4b: {  	_ =	shalt  }
0x4c: {  	_ =	shalt  }
0x4d: {  	_ =	shalt  }
0x4e: {  	_ =	shalt  }
0x4f: {  	_ =	shalt  }
0x50: {  	_ =	shalt  }
0x51: {  	_ =	shalt  }
0x52: {  	_ =	shalt  }
0x53: {  	_ =	shalt  }
0x54: {  	_ =	shalt  }
0x55: {  	_ =	shalt  }
0x56: {  	_ =	shalt  }
0x57: {  	_ =	shalt  }
0x58: {  	_ =	shalt  }
0x59: {  	_ =	shalt  }
0x5a: {  	_ =	shalt  }
0x5b: {  	_ =	shalt  }
0x5c: {  	_ =	shalt  }
0x5d: {  	_ =	shalt  }
0x5e: {  	_ =	shalt  }
0x5f: {  	_ =	shalt  }
0x60: {  	_ =	shalt  }
0x61: {  	_ =	shalt  }
0x62: {  	_ =	shalt  }
0x63: {  	_ =	shalt  }
0x64: {  	_ =	shalt  }
0x65: {  	_ =	shalt  }
0x66: {  	_ =	shalt  }
0x67: {  	_ =	shalt  }
0x68: {  	_ =	shalt  }
0x69: {  	_ =	shalt  }
0x6a: {  	_ =	shalt  }
0x6b: {  	_ =	shalt  }
0x6c: {  	_ =	shalt  }
0x6d: {  	_ =	shalt  }
0x6e: {  	_ =	shalt  }
0x6f: {  	_ =	shalt  }
0x70: {  	_ =	shalt  }
0x71: {  	_ =	shalt  }
0x72: {  	_ =	shalt  }
0x73: {  	_ =	shalt  }
0x74: {  	_ =	shalt  }
0x75: {  	_ =	shalt  }
0x76: {  	_ =	shalt  }
0x77: {  	_ =	shalt  }
0x78: {  	_ =	shalt  }
0x79: {  	_ =	shalt  }
0x7a: {  	_ =	shalt  }
0x7b: {  	_ =	shalt  }
0x7c: {  	_ =	shalt  }
0x7d: {  	_ =	shalt  }
0x7e: {  	_ =	shalt  }
0x7f: {  	_ =	shalt  }
0x80: {  	_ =	shalt  }
0x81: {  	_ =	shalt  }
0x82: {  	_ =	shalt  }
0x83: {  	_ =	shalt  }
0x84: {  	_ =	shalt  }
0x85: {  	_ =	shalt  }
0x86: {  	_ =	shalt  }
0x87: {  	_ =	shalt  }
.Lfunc_end0:
.L_simem_size_0:
called_computation.1_lowered:
.L_overlay_start_0:
0x88: {  	s2 =	sld [smem:$0x3FD9]  }
0x89: {  	s3 =	sld [smem:$0x3FFE];
	_ =	sdelay $0x1  }
0x8a: {  	s1 =	srdreg.scid  }
0x8b: {  	s0 =	sand.u32 $0x1, s1  }
0x8c: {  	s17 =	sshll.u32 s0, $0xA;
	s2 =	sadd.s32 s3, s2  }
0x8d: {  	s2 =	sadd.s32 s2, s17  }
0x8e: {  	[smem:$0x3FC4] =	sst s2  }
0x8f: {  	_ = 	snop  }
0x90: {  	s2 =	sld [smem:$0x3FD0];
	(tm) =	ssettm $0x1  }
0x91: {  	s18 =	sld [smem:$0x3FFB];
	_ =	sdelay $0x3  }
0x92: {  	_ =	strace s18  }
0x93: {  	s3 =	sld [smem:$0x3FFC];
	_ =	sdelay $0x3  }
0x94: {  	_ =	strace s3  }
0x95: {  	s3 =	sld [smem:$0x3FFD];
	_ =	sdelay $0x3  }
0x96: {  	_ =	strace s3  }
0x97: {  	_ =	strace $0x8FFFFFFF  }
0x98: {  	s19 =	sld [smem:$0x3FDB];
	_ =	sdelay $0x1  }
0x99: {  	s4 =	simm.s32 $_scs_section_size  }
0x9a: {  	s5 =	simm.s32 $_size__tile_overlayer_lowered;
	s6 =	simm.s32 $_tile_overlayer_lowered  }
0x9b: {  	s22 =	simm.s32 $0x1BFF;
	s21 =	sshll.u32 s6, $0x1;
	s3 =	sadd.s32 s4, s19  }
0x9c: {  	s7 =	simm.s32 $0x0;
	s20 =	sshll.u32 s5, $0x1;
	s5 =	sadd.s32 s21, s3  }
0x9d: {  	[timem:s7], [sflag:s22] =	dma.local [hbm:s5], s20  }
0x9e: {  	_ =	swait.ge [sflag:s22], s20  }
0x9f: {  	s4 =	ssub.s32 $0x0, s20;
	[sflag:s22] =	ssyncset.done $0x0  }
0xa0: {  	[sflag:s22] =	ssyncadd.s32 s4;
	_ =	sdelay $0x1  }
0xa1: {  	s23 =	simm.s32 $0x1B8B  }
0xa2: {  	_ =	swait.ge [sflag:s23], $0x1  }
0xa3: {  	[sflag:s23] =	ssyncset.done $0x0  }
0xa4: {  	s25 =	simm.s32 $0x1B8E;
	s24 =	sld [smem:$0x3FFE];
	[sflag:s23] =	ssyncadd.s32 $0xFFFFFFFF  }
0xa5: {  	s26 =	simm.s32 $execute0_lowered;
	[smem:$0x3FD2] =	sst s25  }
0xa6: {  	s5 =	sshll.u32 s26, $0x1;
	_ =	strace $0x80000049;
	[dreg:$0x1] =	wrdreg $0xFFFFFFFF  }
0xa7: {  	s28 =	simm.s32 $_size_execute0_lowered;
	s3 =	sadd.s32 s3, s5;
	[dreg:$0x0] =	wrdreg $0x0  }
0xa8: {  	s5 =	sshll.u32 s28, $0x1;
	[dreg:$0x2] =	wrdreg s3  }
0xa9: {  	[dreg:$0x3] =	wrdreg s5  }
0xaa: {  	[dreg:$0x4] =	wrdreg $0xC0  }
0xab: {  	_ =	task [dreg:s7], $0x5FFFF  }
0xac: {  	[dreg:$0x1] =	wrdreg $0xFFFFFFFF  }
0xad: {  	[dreg:$0x0] =	wrdreg $0x60  }
0xae: {  	[dreg:$0x2] =	wrdreg s24  }
0xaf: {  	[dreg:$0x3] =	wrdreg s2  }
0xb0: {  	[dreg:$0x4] =	wrdreg $0x90000  }
0xb1: {  	[dreg:$0x5] =	wrdreg $0x9  }
0xb2: {  	_ =	task.clear_ibuf [dreg:s7], $0x6FFFF;
	_ =	strace $0x90000049  }
0xb3: {  	s29 =	simm.s32 $0x9;
	_ =	strace $0x8000004B  }
0xb4: {  	_ =	swait.ge [sflag:s29], $0x1  }
0xb5: {  	[sflag:s29] =	ssyncadd.s32 $0xFFFFFFFF  }
0xb6: {  	_ =	strace $0x9000004B  }
0xb7: {  	_ =	sfence  }
0xb8: {  	s30 =	sld [smem:$0x0];
	_ =	sdelay $0x2  }
0xb9: {  	s31 =	sshll.u32 s1, $0xD;
	s1 =	sshrl.u32 s1, $0x2  }
0xba: {  	s3 =	sand.u32 $0x4000, s31;
	s1 =	sadd.s32 s1, s30  }
0xbb: {  	s0 =	sor.u32 s3, s0;
	s1 =	sshll.u32 s1, $0x11  }
0xbc: {  	s0 =	sor.u32 s1, s0  }
0xbd: {  	s0 =	sadd.s32 $0x8F2B, s0  }
0xbe: {  	[sflag:s0] =	ssyncadd.remote.s32 $0x1  }
0xbf: {  	_ =	sfence.sel $0xFFFF  }
0xc0: {  	[dreg:$0x0] =	wrdreg $0xFFFFFFFF;
	(pc) =	sbr.abs _section_cstart, $3  }
0xc1: {  	[dreg:$0x1] =	wrdreg $0xFFFFFFFF  }
0xc2: {  	_ =	task.clear_ibuf [dreg:s7], $0x2FFFF;
	_ =	strace $0x9FFFFFFF  }
0xc3: {  	(tm) =	ssettm $0x7FFFFFFF  }
tec
execute0_lowered:
.L_overlay_start_1:
0x0: {  	(tag) =	ssettag $0x1  }
0x1: {  	s6 =	rddreg [dreg:$0x0]  }
0x2: {  	s7 =	rddreg [dreg:$0x1];
	s1 =	srdreg.scid  }
0x3: {  	s0 =	stileid.u32;
	s2 =	rddreg [dreg:$0x2];
	s3 =	simm.s32 $0x0  }
0x4: {  	s14 =	simm.s32 $0x5000;
	s15 =	simm.s32 $0x1;
	s5 =	sand.u32 $0x1, s1  }
0x5: {  	s4 =	sshll.u32 s0, $0x1;
	s1 =	rddreg [dreg:$0x3];
	s12 =	smul.u32 $0x4F000, s0  }
0x6: {  	[smem:$0x7FF] =	sst s3;
	s31 =	sshll.u32 s0, $0x6;
	s17 =	smul.u32 $0x2780, s0  }
0x7: {  	s4 =	sor.u32 s5, s4;
	_ =	strace $0x8000004A;
	s9 =	smul.u32 $0x27800, s5  }
0x8: {  	s11 =	ssub.s32 $0x2, s5;
	s5 =	sadd.s32 $0x33800, s6;
	s8 =	smul.u32 $0x500, s4  }
0x9: {  	s4 =	sadd.s32 $0xC000, s6;
	s29 =	sshrl.u32 s11, $0x1;
	s30 =	sshrl.u32 s12, $0x2  }
0xa: {  	s12 =	simm.s32 $0x2800;
	s9 =	sadd.s32 s9, s6;
	s11 =	ssub.s32 s11, s29  }
0xb: {  	s13 =	sadd.s32 s30, s2;
	s10 =	sadd.s32 s8, s6;
	s6 =	sor.u32 $0x1C02, s31  }
0xc: {  	s7 =	sadd.s32 s7, s8;
	s16 =	sadd.s32 $0x36000, s9;
	s9 =	smax.u32 s11, $0x1  }
0xd: {  	s11 =	simm.s32 $0x2;
	s8 =	sadd.s32 $0x2000, s10;
	s10 =	sshrl.u32 s13, $0x3  }
0xe: {  	s13 =	simm.s32 $0x80;
	s16 =	sadd.s32 s17, s16;
	s17 =	simm.s32 $0x0  }
.LBB2_1:
0xf: {  	[spmem:s10], [sflag:s6] =	dma.local [hbm:s5], $0x2780  }
0x10: {  	_ =	swait.ge [sflag:s11], $0x2780  }
0x11: {  	[sflag:s11] =	ssyncset.done $0x0  }
0x12: {  	[sflag:s11] =	ssyncadd.s32 $0xFFFFD880  }
0x13: {  	[tilespmem:s3], [sflag:$0x2] =	stream.linear.gather [hbm4b:s7+s3], $0x2780, $0x38;
	[tilespmem:$0x1CC00] =	vst v63  }
0x14: {  	_ =	swait.ge [sflag:s11], $0x2780  }
0x15: {  	[sflag:s11] =	ssyncset.done $0x0  }
0x16: {  	[sflag:s11] =	ssyncadd.s32 $0xFFFFD880  }
0x17: {  	[tilespmem:s12], [sflag:$0x2] =	stream.linear.gather [hbm4b:s8+s3], $0x2780, $0x38;
	[tilespmem:$0x1CC00] =	vst v63  }
0x18: {  	_ =	swait.ge [sflag:s11], $0x2780  }
0x19: {  	[sflag:s11] =	ssyncset.done $0x0  }
0x1a: {  	[sflag:s11] =	ssyncadd.s32 $0xFFFFD880  }
0x1b: {  	s18 =	simm.s32 $0x0;
	[bflag:$0x0] =	sbarrier.arrive $0xFFFF  }
0x1c: {  	[tilespmem:s14], [sflag:$0x1] =	stream.indirect.gather [hbm4b:s4+s13], $0x80, s18, s13, $0xb8;
	[tilespmem:$0x1CC00] =	vst v63  }
0x1d: {  	_ =	swait.ge [sflag:s15], $0x4000  }
0x1e: {  	[sflag:s15] =	ssyncset.done $0x0  }
0x1f: {  	s31 =	simm.s32 $0x2800;
	[sflag:s15] =	ssyncadd.s32 $0xFFFFC000  }
0x20: {  	[spmem:s2] =	stream.indirect.scatter.add.f32 [tilespmem:s14], [sflag:$0x2], $0x80, s31, s13, $0xb8;
	[tilespmem:$0x1CC00] =	vst v63  }
0x21: {  	_ =	swait.ge [sflag:s11], $0x4000  }
0x22: {  	s19 =	simm.s32 $0x400;
	s18 =	simm.s32 $0x200;
	[sflag:s11] =	ssyncset.done $0x0  }
.LBB2_2:
0x23: {  	s20 =	sshra.s32 s18, $0x2  }
0x24: {  	[sflag:s11] =	ssyncadd.s32 $0xFFFFC000;
	s18 =	smov.u32 s19;
	s21 =	sadd.s32 $0x200, s19  }
0x25: {  	[tilespmem:s14], [sflag:$0x1] =	stream.indirect.gather [hbm4b:s4+s13], $0x80, s20, s13, $0xb8;
	[tilespmem:$0x1CC00] =	vst v63  }
0x26: {  	p0 =	sne.s32 s19, $0x9C00;
	_ =	swait.ge [sflag:s15], $0x4000  }
.Ltmp0:
0x27: {  	[sflag:s15] =	ssyncset.done $0x0;
	(pc) =	sbr.rel @p0 .LBB2_2-.Ltmp0, $4  }
0x28: {  	s19 =	sadd.s32 $0x2800, s20;
	[sflag:s15] =	ssyncadd.s32 $0xFFFFC000  }
0x29: {  	[spmem:s2] =	stream.indirect.scatter.add.f32 [tilespmem:s14], [sflag:$0x2], $0x80, s19, s13, $0xb8;
	[tilespmem:$0x1CC00] =	vst v63  }
0x2a: {  	_ =	swait.ge [sflag:s11], $0x4000  }
0x2b: {  	s19 =	smov.u32 s21;
	[sflag:s11] =	ssyncset.done $0x0  }
0x2c: {  	s18 =	sshra.s32 s18, $0x2;
	[sflag:s11] =	ssyncadd.s32 $0xFFFFC000  }
0x2d: {  	[tilespmem:s14], [sflag:$0x1] =	stream.indirect.gather [hbm4b:s4+s13], $0x80, s18, s13, $0xb8;
	[tilespmem:$0x1CC00] =	vst v63  }
0x2e: {  	_ =	swait.ge [sflag:s15], $0x4000  }
0x2f: {  	[sflag:s15] =	ssyncset.done $0x0  }
0x30: {  	s18 =	sadd.s32 $0x2800, s18;
	[sflag:s15] =	ssyncadd.s32 $0xFFFFC000  }
0x31: {  	[spmem:s2] =	stream.indirect.scatter.add.f32 [tilespmem:s14], [sflag:$0x2], $0x80, s18, s13, $0xb8;
	[tilespmem:$0x1CC00] =	vst v63  }
0x32: {  	_ =	swait.ge [sflag:s11], $0x4000  }
0x33: {  	s17 =	sadd.s32 $0x1, s17;
	[sflag:s11] =	ssyncset.done $0x0  }
0x34: {  	p0 =	sne.s32 s17, s9;
	[sflag:s11] =	ssyncadd.s32 $0xFFFFC000  }
.Ltmp1:
0x35: {  	[bflag:$0x0] =	sbarrier.arrive $0xFFFF;
	(pc) =	sbr.rel @p0 .LBB2_1-.Ltmp1, $4  }
0x36: {  	[hbm:s16], [sflag:s6] =	dma.local [spmem:s10], $0x2780  }
0x37: {  	_ =	swait.ge [sflag:s11], $0x2780  }
0x38: {  	[sflag:s11] =	ssyncset.done $0x0  }
0x39: {  	[sflag:s11] =	ssyncadd.s32 $0xFFFFD880  }
0x3a: {  	_ =	sfence.sel $0x180000  }
0x3b: {  	[bflag:$0x0] =	sbarrier.arrive $0xFFFF  }
0x3c: {  	p0 =	sne.s32 s0, $0x0;
	_ =	strace $0x9000004A  }
0x3d: {  	s0 =	sadd.s32 @!p0 $0x100000, s1;
	[bflag:$0x2] =	sbarrier.arrive $0xFFFF  }
0x3e: {  	[sflag:s0] =	ssyncadd.tile.s32 @!p0 $0x1;
	_ =	shalt  }
.Lfunc_end2:
_tile_overlayer_lowered:
.L_overlay_start_2:
0x3f: {  	(tag) =	ssettag $0x2  }
0x40: {  	s0 =	rddreg [dreg:$0x0];
	s2 =	stileid.u32  }
0x41: {  	s1 =	rddreg [dreg:$0x1];
	p0 =	sne.s32 s2, $0x0  }
0x42: {  	s3 =	rddreg [dreg:$0x2];
	[bflag:$0x3] =	sbarrier.arrive $0xFFFF;
	s2 =	simm.s32 @!p0 $0x1C02  }
0x43: {  	[timem:s3], [sflag:s2] =	dma.local @!p0 [hbm:s0], s1  }
0x44: {  	s0 =	simm.s32 @!p0 $0x2  }
0x45: {  	_ =	swait.ge @!p0 [sflag:s0], s1  }
0x46: {  	s1 =	ssub.s32 @!p0 $0x0, s1;
	[sflag:s0] =	ssyncset.done @!p0 $0x0  }
0x47: {  	[sflag:s0] =	ssyncadd.s32 @!p0 s1  }
0x48: {  	[bflag:$0x3] =	sbarrier.arrive $0xFFFF  }
0x49: {  	_ =	shalt  }

// kernel: kernel.16.cloned.1.call-start
scs
__scs_entry_jumppad:
0x0: {  	(pc) =	sbr.rel $0x88, $3  }
0x1: {  	(tag) =	ssettag $0x0;
	lr =	simm.s32 $0x1  }
0x2: {  	[smem:$0x3F9D] =	sst lr;
	_ =	strace $0xD0000000  }
0x3: {  	_ = 	snop  }
0x4: {  	_ = 	snop  }
0x5: {  	_ = 	snop  }
0x6: {  	_ = 	snop  }
0x7: {  	_ = 	snop  }
__scs_overlays_trampoline_lowered:
0x8: {  	[smem:$0x3FAC] =	sst s0  }
0x9: {  	[smem:$0x3FAD] =	sst s1  }
0xa: {  	[smem:$0x3FAE] =	sst s2  }
0xb: {  	[smem:$0x3FAF] =	sst s3  }
0xc: {  	[smem:$0x3FB0] =	sst s4  }
0xd: {  	[smem:$0x3FB1] =	sst s5  }
0xe: {  	[smem:$0x3FB2] =	sst s6  }
0xf: {  	[smem:$0x3FB3] =	sst s7  }
0x10: {  	[smem:$0x3FB4] =	sst s8  }
0x11: {  	[smem:$0x3FB5] =	sst s9;
	s0 =	simm.s32 @!p0 $0x0  }
0x12: {  	s1 =	sld [smem:$0x3F9B];
	s0 =	simm.s32 @p0 $0x1  }
0x13: {  	[smem:$0x3FB6] =	sst s0;
	s0 =	simm.s32 @!p1 $0x0  }
0x14: {  	s2 =	sld [smem:$0x3F9A];
	s0 =	simm.s32 @p1 $0x1  }
0x15: {  	[smem:$0x3FB7] =	sst s0;
	s0 =	simm.s32 @!p2 $0x0  }
0x16: {  	s3 =	sld [smem:$0x3FDB];
	s0 =	simm.s32 @p2 $0x1  }
0x17: {  	s4 =	simm.s32 $0x1BF5;
	[smem:$0x3FB9] =	sst s0  }
0x18: {  	s0 =	sld [smem:$0x3F9C];
	_ =	swait.ge [sflag:s4], $0x0  }
0x19: {  	s7 =	sld [smem:$0x3F9D]  }
0x1a: {  	s8 =	sadd.s32 $0xFFFFE003, lr  }
0x1b: {  	s9 =	sadd.s32 $0xFFFFFEF7, lr;
	s5 =	simm.s32 $0xFFFFFFFF;
	p2 =	slt.u32 s8, $0xFFFFF086  }
0x1c: {  	p1 =	slt.u32 s9, $0xF7A;
	s5 =	simm.s32 @!p2 $0x0  }
0x1d: {  	s5 =	simm.s32 @p1 $0x1;
	p0 =	seq.s32 s7, s2  }
0x1e: {  	s7 =	smul.u32 @!p0 $0xF7A, s2;
	p2 =	seq.s32 @!p0 s5, $0x0  }
0x1f: {  	s9 =	smul.u32 $0xF7A, s1;
	s8 =	simm.s32 @!p0 $0x1BF5;
	p2 =	por !p2, p0  }
0x20: {  	[sflag:s8] =	ssyncset.s32 @!p0 $0xFFFFF086;
	s6 =	sadd.s32 @!p0 s3, s7;
	s7 =	simm.s32 @!p0 $0x108  }
0x21: {  	s3 =	sadd.s32 s3, s9;
	s6 =	sadd.s32 @!p0 $0x88, s6;
	s7 =	simm.s32 @p2 $0x1082  }
0x22: {  	[simem:s7], [sflag:s8] =	dma.local @!p0 [hbm:s6], $0xF7A  }
0x23: {  	s9 =	sor.u32 $0xD0000000, s2;
	s6 =	simm.s32 $0x108;
	_ =	swait.ge @!p0 [sflag:s8], $0x0  }
0x24: {  	s3 =	sadd.s32 $0x88, s3;
	s6 =	simm.s32 @!p1 $0x1082;
	[sflag:s4] =	ssyncset.s32 $0xFFFFF086  }
0x25: {  	[simem:s6], [sflag:s4] =	dma.local [hbm:s3], $0xF7A  }
0x26: {  	[smem:$0x3F9D] =	sst s1;
	(tag) =	ssettag s2;
	_ =	strace s9  }
0x27: {  	s1 =	sld [smem:$0x3FAD]  }
0x28: {  	s2 =	sld [smem:$0x3FAE]  }
0x29: {  	s4 =	sld [smem:$0x3FB0]  }
0x2a: {  	p0 =	seq.s32 s5, $0x0;
	s5 =	sld [smem:$0x3FB1]  }
0x2b: {  	s6 =	sld [smem:$0x3FB2]  }
0x2c: {  	s7 =	sld [smem:$0x3FB3]  }
0x2d: {  	s3 =	simm.s32 $0x108;
	s8 =	sld [smem:$0x3FB4]  }
0x2e: {  	s3 =	simm.s32 @!p0 $0x1082;
	s9 =	sld [smem:$0x3FB5]  }
0x2f: {  	lr =	sadd.s32 s0, s3;
	s0 =	sld [smem:$0x3FAC]  }
0x30: {  	s3 =	sld [smem:$0x3FAF]  }
0x31: {  	[smem:$0x3FB8] =	sst s10  }
0x32: {  	s10 =	sld [smem:$0x3FB6];
	_ =	sdelay $0x3  }
0x33: {  	p0 =	seq.s32 s10, $0x1;
	s10 =	sld [smem:$0x3FB8];
	_ =	sdelay $0x3  }
0x34: {  	[smem:$0x3FB8] =	sst s10  }
0x35: {  	s10 =	sld [smem:$0x3FB7];
	_ =	sdelay $0x3  }
0x36: {  	p1 =	seq.s32 s10, $0x1;
	s10 =	sld [smem:$0x3FB8];
	_ =	sdelay $0x3  }
0x37: {  	[smem:$0x3FB8] =	sst s10  }
0x38: {  	s10 =	sld [smem:$0x3FB9]  }
0x39: {  	_ = 	snop;
	(pc) =	sbr.ind lr, $3  }
0x3a: {  	_ = 	snop  }
0x3b: {  	_ = 	snop  }
0x3c: {  	p2 =	seq.s32 s10, $0x1;
	s10 =	sld [smem:$0x3FB8]  }
0x3d: {  	_ =	shalt  }
0x3e: {  	_ =	shalt  }
0x3f: {  	_ =	shalt  }
0x40: {  	_ =	shalt  }
0x41: {  	_ =	shalt  }
0x42: {  	_ =	shalt  }
0x43: {  	_ =	shalt  }
0x44: {  	_ =	shalt  }
0x45: {  	_ =	shalt  }
0x46: {  	_ =	shalt  }
0x47: {  	_ =	shalt  }
0x48: {  	_ =	shalt  }
0x49: {  	_ =	shalt  }
0x4a: {  	_ =	shalt  }
0x4b: {  	_ =	shalt  }
0x4c: {  	_ =	shalt  }
0x4d: {  	_ =	shalt  }
0x4e: {  	_ =	shalt  }
0x4f: {  	_ =	shalt  }
0x50: {  	_ =	shalt  }
0x51: {  	_ =	shalt  }
0x52: {  	_ =	shalt  }
0x53: {  	_ =	shalt  }
0x54: {  	_ =	shalt  }
0x55: {  	_ =	shalt  }
0x56: {  	_ =	shalt  }
0x57: {  	_ =	shalt  }
0x58: {  	_ =	shalt  }
0x59: {  	_ =	shalt  }
0x5a: {  	_ =	shalt  }
0x5b: {  	_ =	shalt  }
0x5c: {  	_ =	shalt  }
0x5d: {  	_ =	shalt  }
0x5e: {  	_ =	shalt  }
0x5f: {  	_ =	shalt  }
0x60: {  	_ =	shalt  }
0x61: {  	_ =	shalt  }
0x62: {  	_ =	shalt  }
0x63: {  	_ =	shalt  }
0x64: {  	_ =	shalt  }
0x65: {  	_ =	shalt  }
0x66: {  	_ =	shalt  }
0x67: {  	_ =	shalt  }
0x68: {  	_ =	shalt  }
0x69: {  	_ =	shalt  }
0x6a: {  	_ =	shalt  }
0x6b: {  	_ =	shalt  }
0x6c: {  	_ =	shalt  }
0x6d: {  	_ =	shalt  }
0x6e: {  	_ =	shalt  }
0x6f: {  	_ =	shalt  }
0x70: {  	_ =	shalt  }
0x71: {  	_ =	shalt  }
0x72: {  	_ =	shalt  }
0x73: {  	_ =	shalt  }
0x74: {  	_ =	shalt  }
0x75: {  	_ =	shalt  }
0x76: {  	_ =	shalt  }
0x77: {  	_ =	shalt  }
0x78: {  	_ =	shalt  }
0x79: {  	_ =	shalt  }
0x7a: {  	_ =	shalt  }
0x7b: {  	_ =	shalt  }
0x7c: {  	_ =	shalt  }
0x7d: {  	_ =	shalt  }
0x7e: {  	_ =	shalt  }
0x7f: {  	_ =	shalt  }
0x80: {  	_ =	shalt  }
0x81: {  	_ =	shalt  }
0x82: {  	_ =	shalt  }
0x83: {  	_ =	shalt  }
0x84: {  	_ =	shalt  }
0x85: {  	_ =	shalt  }
0x86: {  	_ =	shalt  }
0x87: {  	_ =	shalt  }
.Lfunc_end0:
.L_simem_size_0:
called_computation.2_lowered:
.L_overlay_start_0:
0x88: {  	s2 =	sld [smem:$0x3FD9]  }
0x89: {  	s3 =	sld [smem:$0x3FFE];
	_ =	sdelay $0x1  }
0x8a: {  	s1 =	srdreg.scid  }
0x8b: {  	s0 =	sand.u32 $0x1, s1  }
0x8c: {  	s17 =	sshll.u32 s0, $0xA;
	s2 =	sadd.s32 s3, s2  }
0x8d: {  	s2 =	sadd.s32 s2, s17  }
0x8e: {  	[smem:$0x3FC4] =	sst s2  }
0x8f: {  	_ = 	snop  }
0x90: {  	s2 =	sld [smem:$0x3FD0];
	(tm) =	ssettm $0x1  }
0x91: {  	s18 =	sld [smem:$0x3FFB];
	_ =	sdelay $0x3  }
0x92: {  	_ =	strace s18  }
0x93: {  	s3 =	sld [smem:$0x3FFC];
	_ =	sdelay $0x3  }
0x94: {  	_ =	strace s3  }
0x95: {  	s3 =	sld [smem:$0x3FFD];
	_ =	sdelay $0x3  }
0x96: {  	_ =	strace s3  }
0x97: {  	_ =	strace $0x8FFFFFFF  }
0x98: {  	s19 =	sld [smem:$0x3FDB];
	_ =	sdelay $0x1  }
0x99: {  	s4 =	simm.s32 $_scs_section_size  }
0x9a: {  	s5 =	simm.s32 $_size__tile_overlayer_lowered;
	s6 =	simm.s32 $_tile_overlayer_lowered  }
0x9b: {  	s22 =	simm.s32 $0x1BFF;
	s21 =	sshll.u32 s6, $0x1;
	s3 =	sadd.s32 s4, s19  }
0x9c: {  	s7 =	simm.s32 $0x0;
	s20 =	sshll.u32 s5, $0x1;
	s5 =	sadd.s32 s21, s3  }
0x9d: {  	[timem:s7], [sflag:s22] =	dma.local [hbm:s5], s20  }
0x9e: {  	_ =	swait.ge [sflag:s22], s20  }
0x9f: {  	s4 =	ssub.s32 $0x0, s20;
	[sflag:s22] =	ssyncset.done $0x0  }
0xa0: {  	[sflag:s22] =	ssyncadd.s32 s4;
	_ =	sdelay $0x1  }
0xa1: {  	s23 =	simm.s32 $0x1B8B  }
0xa2: {  	_ =	swait.ge [sflag:s23], $0x1  }
0xa3: {  	[sflag:s23] =	ssyncset.done $0x0  }
0xa4: {  	s25 =	simm.s32 $0x1B8E;
	s24 =	sld [smem:$0x3FFE];
	[sflag:s23] =	ssyncadd.s32 $0xFFFFFFFF  }
0xa5: {  	s26 =	simm.s32 $execute0_lowered;
	[smem:$0x3FD2] =	sst s25  }
0xa6: {  	s5 =	sshll.u32 s26, $0x1;
	_ =	strace $0x8000004C;
	[dreg:$0x1] =	wrdreg $0xFFFFFFFF  }
0xa7: {  	s28 =	simm.s32 $_size_execute0_lowered;
	s3 =	sadd.s32 s3, s5;
	[dreg:$0x0] =	wrdreg $0x0  }
0xa8: {  	s5 =	sshll.u32 s28, $0x1;
	[dreg:$0x2] =	wrdreg s3  }
0xa9: {  	[dreg:$0x3] =	wrdreg s5  }
0xaa: {  	[dreg:$0x4] =	wrdreg $0xC0  }
0xab: {  	_ =	task [dreg:s7], $0x5FFFF  }
0xac: {  	[dreg:$0x1] =	wrdreg $0xFFFFFFFF  }
0xad: {  	[dreg:$0x0] =	wrdreg $0x60  }
0xae: {  	[dreg:$0x2] =	wrdreg s24  }
0xaf: {  	[dreg:$0x3] =	wrdreg s2  }
0xb0: {  	[dreg:$0x4] =	wrdreg $0x90000  }
0xb1: {  	[dreg:$0x5] =	wrdreg $0x9  }
0xb2: {  	_ =	task.clear_ibuf [dreg:s7], $0x6FFFF;
	_ =	strace $0x9000004C  }
0xb3: {  	s29 =	simm.s32 $0x9;
	_ =	strace $0x8000004E  }
0xb4: {  	_ =	swait.ge [sflag:s29], $0x1  }
0xb5: {  	[sflag:s29] =	ssyncadd.s32 $0xFFFFFFFF  }
0xb6: {  	_ =	strace $0x9000004E  }
0xb7: {  	_ =	sfence  }
0xb8: {  	s30 =	sld [smem:$0x0];
	_ =	sdelay $0x2  }
0xb9: {  	s31 =	sshll.u32 s1, $0xD;
	s1 =	sshrl.u32 s1, $0x2  }
0xba: {  	s3 =	sand.u32 $0x4000, s31;
	s1 =	sadd.s32 s1, s30  }
0xbb: {  	s0 =	sor.u32 s3, s0;
	s1 =	sshll.u32 s1, $0x11  }
0xbc: {  	s0 =	sor.u32 s1, s0  }
0xbd: {  	s0 =	sadd.s32 $0x8F2B, s0  }
0xbe: {  	[sflag:s0] =	ssyncadd.remote.s32 $0x1  }
0xbf: {  	_ =	sfence.sel $0xFFFF  }
0xc0: {  	[dreg:$0x0] =	wrdreg $0xFFFFFFFF;
	(pc) =	sbr.abs _section_cstart, $3  }
0xc1: {  	[dreg:$0x1] =	wrdreg $0xFFFFFFFF  }
0xc2: {  	_ =	task.clear_ibuf [dreg:s7], $0x2FFFF;
	_ =	strace $0x9FFFFFFF  }
0xc3: {  	(tm) =	ssettm $0x7FFFFFFF  }
tec
execute0_lowered:
.L_overlay_start_1:
0x0: {  	(tag) =	ssettag $0x1  }
0x1: {  	s6 =	rddreg [dreg:$0x0]  }
0x2: {  	s7 =	rddreg [dreg:$0x1];
	s1 =	srdreg.scid  }
0x3: {  	s0 =	stileid.u32;
	s2 =	rddreg [dreg:$0x2];
	s3 =	simm.s32 $0x0  }
0x4: {  	s14 =	simm.s32 $0x5000;
	s15 =	simm.s32 $0x1;
	s5 =	sand.u32 $0x1, s1  }
0x5: {  	s4 =	sshll.u32 s0, $0x1;
	s1 =	rddreg [dreg:$0x3];
	s12 =	smul.u32 $0x4F000, s0  }
0x6: {  	[smem:$0x7FF] =	sst s3;
	s31 =	sshll.u32 s0, $0x6;
	s17 =	smul.u32 $0x2780, s0  }
0x7: {  	s4 =	sor.u32 s5, s4;
	_ =	strace $0x8000004D;
	s9 =	smul.u32 $0x27800, s5  }
0x8: {  	s11 =	ssub.s32 $0x2, s5;
	s5 =	sadd.s32 $0x33800, s6;
	s8 =	smul.u32 $0x500, s4  }
0x9: {  	s4 =	sadd.s32 $0xC000, s6;
	s29 =	sshrl.u32 s11, $0x1;
	s30 =	sshrl.u32 s12, $0x2  }
0xa: {  	s12 =	simm.s32 $0x2800;
	s9 =	sadd.s32 s9, s6;
	s11 =	ssub.s32 s11, s29  }
0xb: {  	s13 =	sadd.s32 s30, s2;
	s10 =	sadd.s32 s8, s6;
	s6 =	sor.u32 $0x1C02, s31  }
0xc: {  	s7 =	sadd.s32 s7, s8;
	s16 =	sadd.s32 $0x36000, s9;
	s9 =	smax.u32 s11, $0x1  }
0xd: {  	s11 =	simm.s32 $0x2;
	s8 =	sadd.s32 $0x2000, s10;
	s10 =	sshrl.u32 s13, $0x3  }
0xe: {  	s13 =	simm.s32 $0x80;
	s16 =	sadd.s32 s17, s16;
	s17 =	simm.s32 $0x0  }
.LBB2_1:
0xf: {  	[spmem:s10], [sflag:s6] =	dma.local [hbm:s5], $0x2780  }
0x10: {  	_ =	swait.ge [sflag:s11], $0x2780  }
0x11: {  	[sflag:s11] =	ssyncset.done $0x0  }
0x12: {  	[sflag:s11] =	ssyncadd.s32 $0xFFFFD880  }
0x13: {  	[tilespmem:s3], [sflag:$0x2] =	stream.linear.gather [hbm4b:s7+s3], $0x2780, $0x38;
	[tilespmem:$0x1CC00] =	vst v63  }
0x14: {  	_ =	swait.ge [sflag:s11], $0x2780  }
0x15: {  	[sflag:s11] =	ssyncset.done $0x0  }
0x16: {  	[sflag:s11] =	ssyncadd.s32 $0xFFFFD880  }
0x17: {  	[tilespmem:s12], [sflag:$0x2] =	stream.linear.gather [hbm4b:s8+s3], $0x2780, $0x38;
	[tilespmem:$0x1CC00] =	vst v63  }
0x18: {  	_ =	swait.ge [sflag:s11], $0x2780  }
0x19: {  	[sflag:s11] =	ssyncset.done $0x0  }
0x1a: {  	[sflag:s11] =	ssyncadd.s32 $0xFFFFD880  }
0x1b: {  	s18 =	simm.s32 $0x0;
	[bflag:$0x0] =	sbarrier.arrive $0xFFFF  }
0x1c: {  	[tilespmem:s14], [sflag:$0x1] =	stream.indirect.gather [hbm4b:s4+s13], $0x80, s18, s13, $0xb8;
	[tilespmem:$0x1CC00] =	vst v63  }
0x1d: {  	_ =	swait.ge [sflag:s15], $0x4000  }
0x1e: {  	[sflag:s15] =	ssyncset.done $0x0  }
0x1f: {  	s31 =	simm.s32 $0x2800;
	[sflag:s15] =	ssyncadd.s32 $0xFFFFC000  }
0x20: {  	[spmem:s2] =	stream.indirect.scatter.add.f32 [tilespmem:s14], [sflag:$0x2], $0x80, s31, s13, $0xb8;
	[tilespmem:$0x1CC00] =	vst v63  }
0x21: {  	_ =	swait.ge [sflag:s11], $0x4000  }
0x22: {  	s19 =	simm.s32 $0x400;
	s18 =	simm.s32 $0x200;
	[sflag:s11] =	ssyncset.done $0x0  }
.LBB2_2:
0x23: {  	s20 =	sshra.s32 s18, $0x2  }
0x24: {  	[sflag:s11] =	ssyncadd.s32 $0xFFFFC000;
	s18 =	smov.u32 s19;
	s21 =	sadd.s32 $0x200, s19  }
0x25: {  	[tilespmem:s14], [sflag:$0x1] =	stream.indirect.gather [hbm4b:s4+s13], $0x80, s20, s13, $0xb8;
	[tilespmem:$0x1CC00] =	vst v63  }
0x26: {  	p0 =	sne.s32 s19, $0x9C00;
	_ =	swait.ge [sflag:s15], $0x4000  }
.Ltmp0:
0x27: {  	[sflag:s15] =	ssyncset.done $0x0;
	(pc) =	sbr.rel @p0 .LBB2_2-.Ltmp0, $4  }
0x28: {  	s19 =	sadd.s32 $0x2800, s20;
	[sflag:s15] =	ssyncadd.s32 $0xFFFFC000  }
0x29: {  	[spmem:s2] =	stream.indirect.scatter.add.f32 [tilespmem:s14], [sflag:$0x2], $0x80, s19, s13, $0xb8;
	[tilespmem:$0x1CC00] =	vst v63  }
0x2a: {  	_ =	swait.ge [sflag:s11], $0x4000  }
0x2b: {  	s19 =	smov.u32 s21;
	[sflag:s11] =	ssyncset.done $0x0  }
0x2c: {  	s18 =	sshra.s32 s18, $0x2;
	[sflag:s11] =	ssyncadd.s32 $0xFFFFC000  }
0x2d: {  	[tilespmem:s14], [sflag:$0x1] =	stream.indirect.gather [hbm4b:s4+s13], $0x80, s18, s13, $0xb8;
	[tilespmem:$0x1CC00] =	vst v63  }
0x2e: {  	_ =	swait.ge [sflag:s15], $0x4000  }
0x2f: {  	[sflag:s15] =	ssyncset.done $0x0  }
0x30: {  	s18 =	sadd.s32 $0x2800, s18;
	[sflag:s15] =	ssyncadd.s32 $0xFFFFC000  }
0x31: {  	[spmem:s2] =	stream.indirect.scatter.add.f32 [tilespmem:s14], [sflag:$0x2], $0x80, s18, s13, $0xb8;
	[tilespmem:$0x1CC00] =	vst v63  }
0x32: {  	_ =	swait.ge [sflag:s11], $0x4000  }
0x33: {  	s17 =	sadd.s32 $0x1, s17;
	[sflag:s11] =	ssyncset.done $0x0  }
0x34: {  	p0 =	sne.s32 s17, s9;
	[sflag:s11] =	ssyncadd.s32 $0xFFFFC000  }
.Ltmp1:
0x35: {  	[bflag:$0x0] =	sbarrier.arrive $0xFFFF;
	(pc) =	sbr.rel @p0 .LBB2_1-.Ltmp1, $4  }
0x36: {  	[hbm:s16], [sflag:s6] =	dma.local [spmem:s10], $0x2780  }
0x37: {  	_ =	swait.ge [sflag:s11], $0x2780  }
0x38: {  	[sflag:s11] =	ssyncset.done $0x0  }
0x39: {  	[sflag:s11] =	ssyncadd.s32 $0xFFFFD880  }
0x3a: {  	_ =	sfence.sel $0x180000  }
0x3b: {  	[bflag:$0x0] =	sbarrier.arrive $0xFFFF  }
0x3c: {  	p0 =	sne.s32 s0, $0x0;
	_ =	strace $0x9000004D  }
0x3d: {  	s0 =	sadd.s32 @!p0 $0x100000, s1;
	[bflag:$0x2] =	sbarrier.arrive $0xFFFF  }
0x3e: {  	[sflag:s0] =	ssyncadd.tile.s32 @!p0 $0x1;
	_ =	shalt  }
.Lfunc_end2:
_tile_overlayer_lowered:
.L_overlay_start_2:
0x3f: {  	(tag) =	ssettag $0x2  }
0x40: {  	s0 =	rddreg [dreg:$0x0];
	s2 =	stileid.u32  }
0x41: {  	s1 =	rddreg [dreg:$0x1];
	p0 =	sne.s32 s2, $0x0  }
0x42: {  	s3 =	rddreg [dreg:$0x2];
	[bflag:$0x3] =	sbarrier.arrive $0xFFFF;
	s2 =	simm.s32 @!p0 $0x1C02  }
0x43: {  	[timem:s3], [sflag:s2] =	dma.local @!p0 [hbm:s0], s1  }
0x44: {  	s0 =	simm.s32 @!p0 $0x2  }
0x45: {  	_ =	swait.ge @!p0 [sflag:s0], s1  }
0x46: {  	s1 =	ssub.s32 @!p0 $0x0, s1;
	[sflag:s0] =	ssyncset.done @!p0 $0x0  }
0x47: {  	[sflag:s0] =	ssyncadd.s32 @!p0 s1  }
0x48: {  	[bflag:$0x3] =	sbarrier.arrive $0xFFFF  }
0x49: {  	_ =	shalt  }

</sc_bundles>
